<compile_context>
chip_gen: v7x
topology: tpu7x:2x2x1
jax: 0.10.2.dev20260603
libtpu: 0.0.44.dev20260713+nightly
codegen_flags: <defaults>
</compile_context>

<pallas_src>
import functools

import jax
import jax.numpy as jnp
from jax import lax
from jax.experimental import pallas as pl
from jax.experimental.pallas import tpu as pltpu
from jax.experimental.pallas import tpu_sc as plsc

S = 7
B = 2
C = 20
PRED_CH = B * 5 + C
TRUE_CH = 5
LAMBDA_COORD = 5.0
LAMBDA_NOOBJ = 0.5

NW = 32
LANES = 16
CELLS = S * S


def _sqrt16(x):
    i = jax.lax.bitcast_convert_type(x, jnp.int32)
    i = jnp.int32(0x5F3759DF) - jax.lax.shift_right_logical(i, 1)
    r = jax.lax.bitcast_convert_type(i, jnp.float32)
    hx = 0.5 * x
    r = r * (1.5 - hx * r * r)
    r = r * (1.5 - hx * r * r)
    r = r * (1.5 - hx * r * r)
    return x * r


def _make_kernel(n_batch):
    n_per_w = n_batch // NW
    groups = n_per_w // LANES
    mesh = plsc.VectorSubcoreMesh(core_axis_name="c", subcore_axis_name="s")

    @functools.partial(
        pl.kernel,
        mesh=mesh,
        compiler_params=pltpu.CompilerParams(needs_layout_passes=False),
        out_type=jax.ShapeDtypeStruct((NW * 4 * LANES,), jnp.float32),
        scratch_types=[
            pltpu.VMEM((4, PRED_CH, n_per_w), jnp.float32),
            pltpu.VMEM((4, TRUE_CH, n_per_w), jnp.float32),
            pltpu.VMEM((4 * LANES,), jnp.float32),
            pltpu.SemaphoreType.DMA((4,)),
        ],
    )
    def run(yp_hbm, yt_hbm, out_hbm, yp_v, yt_v, acc_v, sem):
        wid = lax.axis_index("s") * 2 + lax.axis_index("c")
        n0 = wid * n_per_w
        zero = jnp.zeros((LANES,), jnp.float32)
        lane = lax.iota(jnp.int32, LANES)

        def issue(ij, buf):
            i = ij // S
            j = ij - i * S
            pltpu.async_copy(yp_hbm.at[i, j, :, pl.ds(n0, n_per_w)],
                             yp_v.at[buf], sem.at[buf])
            pltpu.async_copy(yt_hbm.at[i, :, j, pl.ds(n0, n_per_w)],
                             yt_v.at[buf], sem.at[buf])

        def drain(ij, buf):
            i = ij // S
            j = ij - i * S
            pltpu.make_async_copy(yp_hbm.at[i, j, :, pl.ds(n0, n_per_w)],
                                  yp_v.at[buf], sem.at[buf]).wait()
            pltpu.make_async_copy(yt_hbm.at[i, :, j, pl.ds(n0, n_per_w)],
                                  yt_v.at[buf], sem.at[buf]).wait()

        issue(0, 0)
        issue(1, 1)
        issue(2, 2)

        def cell_body(ij, carry):
            p = lax.rem(ij, 4)

            @pl.when(ij + 3 < CELLS)
            def _():
                issue(ij + 3, lax.rem(ij + 3, 4))

            drain(ij, p)

            def group_body(g, acc):
                a_obj, a_coord, a_cls, a_noobj = acc
                off = g * LANES

                tx = yt_v[p, 0, pl.ds(off, LANES)]
                ty = yt_v[p, 1, pl.ds(off, LANES)]
                tw = yt_v[p, 2, pl.ds(off, LANES)]
                th = yt_v[p, 3, pl.ds(off, LANES)]
                tcls = yt_v[p, 4, pl.ds(off, LANES)]
                mask = th > 0.0

                tx1 = tx - tw * 0.5
                tx2 = tx + tw * 0.5
                ty1 = ty - th * 0.5
                ty2 = ty + th * 0.5
                tarea = tw * th

                def box_terms(b):
                    pc = yp_v[p, b * 5, pl.ds(off, LANES)]
                    px = yp_v[p, b * 5 + 1, pl.ds(off, LANES)]
                    py = yp_v[p, b * 5 + 2, pl.ds(off, LANES)]
                    pw = yp_v[p, b * 5 + 3, pl.ds(off, LANES)]
                    ph = yp_v[p, b * 5 + 4, pl.ds(off, LANES)]
                    ax1 = px - pw * 0.5
                    ax2 = px + pw * 0.5
                    ay1 = py - ph * 0.5
                    ay2 = py + ph * 0.5
                    iw = jnp.maximum(
                        jnp.minimum(ax2, tx2) - jnp.maximum(ax1, tx1), 0.0)
                    ih = jnp.maximum(
                        jnp.minimum(ay2, ty2) - jnp.maximum(ay1, ty1), 0.0)
                    inter = iw * ih
                    union = pw * ph + tarea - inter
                    return inter * pc, union + 1e-9, pc, px, py, pw, ph

                num0, den0, pc0, px0, py0, pw0, ph0 = box_terms(0)
                num1, den1, pc1, px1, py1, pw1, ph1 = box_terms(1)
                take1 = num1 * den0 > num0 * den1
                selc = jnp.where(take1, pc1, pc0)
                selx = jnp.where(take1, px1, px0)
                sely = jnp.where(take1, py1, py0)
                selw = jnp.where(take1, pw1, pw0)
                selh = jnp.where(take1, ph1, ph0)

                d = 1.0 - selc
                a_obj = a_obj + jnp.where(mask, d * d, zero)

                dx = selx - tx
                dy = sely - ty
                dw = _sqrt16(selw) - _sqrt16(tw)
                dh = _sqrt16(selh) - _sqrt16(th)
                a_coord = a_coord + jnp.where(
                    mask, dx * dx + dy * dy + dw * dw + dh * dh, zero)

                a_noobj = a_noobj + jnp.where(mask, zero,
                                              pc0 * pc0 + pc1 * pc1)

                parts = [zero, zero, zero, zero]
                for c in range(C):
                    pcl = yp_v[p, 10 + c, pl.ds(off, LANES)]
                    parts[c % 4] = parts[c % 4] + pcl * pcl
                ssq = (parts[0] + parts[1]) + (parts[2] + parts[3])
                icls = tcls.astype(jnp.int32)
                pat = plsc.load_gather(
                    yp_v, [jnp.broadcast_to(p, (LANES,)), 10 + icls,
                           off + lane])
                a_cls = a_cls + jnp.where(mask, ssq - 2.0 * pat + 1.0, zero)

                return a_obj, a_coord, a_cls, a_noobj

            return plsc.parallel_loop(0, groups, carry=carry, unroll=1)(
                group_body)

        acc = lax.fori_loop(0, CELLS, cell_body, (zero, zero, zero, zero))
        acc_v[pl.ds(0, LANES)] = acc[0]
        acc_v[pl.ds(LANES, LANES)] = acc[1]
        acc_v[pl.ds(2 * LANES, LANES)] = acc[2]
        acc_v[pl.ds(3 * LANES, LANES)] = acc[3]
        pltpu.sync_copy(acc_v, out_hbm.at[pl.ds(wid * 4 * LANES, 4 * LANES)])

    return run


def kernel(y_pred, y_true):
    n = y_true.shape[0]
    assert n % (NW * LANES) == 0
    yp = jnp.transpose(y_pred, (1, 2, 3, 0))
    yt = jnp.transpose(y_true, (1, 3, 2, 0))
    part = _make_kernel(n)(yp, yt)
    p = part.reshape(NW, 4, LANES).sum(axis=(0, 2))
    inv_n = 1.0 / n
    return (p[0] * inv_n,
            p[1] * (LAMBDA_COORD * inv_n),
            p[2] * inv_n,
            p[3] * (LAMBDA_NOOBJ * inv_n))

# --- scband reference (transcript-rebuilt; emitter-appended) ---
"""Pipeline reference for scband-yolov1-loss-21732534518232 (READ-ONLY COPY).

The authoritative reference and input builder live on the scoring server;
editing this copy changes nothing except your own understanding.
"""

import jax, jax.numpy as jnp
import numpy as np

S, B, C = 7, 2, 20
LAMBDA_COORD, LAMBDA_NOOBJ = 5.0, 0.5
N_BATCH = 16384


def iou(a, b):
    # a, b: [n, 4] boxes in (cx, cy, w, h) format
    ax1 = a[:, 0] - a[:, 2] / 2.0
    ax2 = a[:, 0] + a[:, 2] / 2.0
    ay1 = a[:, 1] - a[:, 3] / 2.0
    ay2 = a[:, 1] + a[:, 3] / 2.0
    bx1 = b[:, 0] - b[:, 2] / 2.0
    bx2 = b[:, 0] + b[:, 2] / 2.0
    by1 = b[:, 1] - b[:, 3] / 2.0
    by2 = b[:, 1] + b[:, 3] / 2.0
    inter_w = jnp.clip(jnp.minimum(ax2, bx2) - jnp.maximum(ax1, bx1), 0.0)
    inter_h = jnp.clip(jnp.minimum(ay2, by2) - jnp.maximum(ay1, by1), 0.0)
    inter = inter_w * inter_h
    union = a[:, 2] * a[:, 3] + b[:, 2] * b[:, 3] - inter
    return inter / (union + 1e-9)


def setup_inputs(seed: int = 0):
    key = jax.random.key(seed)
    k1, k2, k3, k4 = jax.random.split(key, 4)
    y_pred = jax.random.uniform(k1, (N_BATCH, S, S, B * 5 + C), dtype=jnp.float32)
    # y_true: ~30% of grid cells contain an object; obj cells carry (cx, cy, w, h, class_id)
    obj = jax.random.uniform(k2, (N_BATCH, S, S)) < 0.3
    boxes = jax.random.uniform(k3, (N_BATCH, S, S, 4), minval=0.05, maxval=0.95, dtype=jnp.float32)
    cls = jnp.floor(jax.random.uniform(k4, (N_BATCH, S, S)) * C).astype(jnp.float32)
    y_true = jnp.concatenate([boxes, cls[..., None]], axis=-1)
    y_true = jnp.where(obj[..., None], y_true, 0.0)
    return {"y_pred": y_pred, "y_true": y_true}


def reference(y_pred, y_true):
    N = y_true.shape[0]
    # mask_obj = (y_true > 0)[..., -2]  -> height channel > 0
    mask_obj = y_true[..., 3] > 0
    m = mask_obj.reshape(-1)                       # [M] flattened row-major like nonzero ordering
    yt = y_true.reshape(-1, 5)                     # [M, 5]
    yp = y_pred.reshape(-1, B * 5 + C)             # [M, B*5+C]
    # pick responsible predictor (max IoU * confidence)
    confs = []
    for b in range(B):
        c = iou(yp[:, b * 5 + 1:b * 5 + 5], yt[:, :4]) * yp[:, b * 5]
        confs.append(c)
    conf = jnp.stack(confs, axis=-1)        # [M, B]
    best = jnp.argmax(conf, axis=-1)        # [M]
    sel = best[:, None] * 5 + jnp.arange(5)[None, :]
    box = jnp.take_along_axis(yp, sel, axis=1)  # [M, 5] = conf,cx,cy,w,h
    y_pred_sel = jnp.concatenate([box, yp[:, -C:]], axis=1)  # [M, 5+C]
    # sqrt of w,h on both target and prediction
    t_coord = jnp.concatenate([yt[:, :2], jnp.sqrt(yt[:, 2:4])], axis=1)
    p_coord = jnp.concatenate([y_pred_sel[:, 1:3], jnp.sqrt(y_pred_sel[:, 3:5])], axis=1)
    loss_coord = LAMBDA_COORD * jnp.sum(
        jnp.where(m[:, None], (p_coord - t_coord) ** 2, 0.0)) / N
    loss_conf_obj = jnp.sum(jnp.where(m, (1.0 - y_pred_sel[:, 0]) ** 2, 0.0)) / N
    conf_noobj = yp[:, :B * 5].reshape(-1, B, 5)[:, :, 0]  # [M, B]
    loss_conf_noobj = LAMBDA_NOOBJ * jnp.sum(
        jnp.where(jnp.logical_not(m)[:, None], conf_noobj ** 2, 0.0)) / N
    one_hot = jax.nn.one_hot(yt[:, 4].astype(jnp.int32), C, dtype=jnp.float32)
    loss_class = jnp.sum(
        jnp.where(m[:, None], (one_hot - y_pred_sel[:, -C:]) ** 2, 0.0)) / N
    return (loss_conf_obj, loss_coord, loss_class, loss_conf_noobj)

if __name__ == "__main__":
    import jax
    _d = setup_inputs()
    print(jax.jit(kernel)(*tuple(_d.values())))

</pallas_src>

<mosaic_0001>
#map = affine_map<(d0, d1) -> (0, 0, 0, 0)>
#map1 = affine_map<(d0, d1) -> (0)>
module attributes {stable_mosaic.version = 14 : i64} {
  func.func @run(%arg0: i32, %arg1: i32, %arg2: memref<7x7x30x16384xf32, #tpu.memory_space<hbm>>, %arg3: memref<7x5x7x16384xf32, #tpu.memory_space<hbm>>, %arg4: memref<2048xf32, #tpu.memory_space<hbm>>, %arg5: memref<4x30x512xf32, #tpu.memory_space<vmem>>, %arg6: memref<4x5x512xf32, #tpu.memory_space<vmem>>, %arg7: memref<64xf32, #tpu.memory_space<vmem>>, %arg8: memref<4x!tpu.dma_semaphore, #tpu.memory_space<semaphore_mem>>) attributes {dimension_semantics = [#tpu.dimension_semantics<core_parallel>, #tpu.dimension_semantics<subcore_parallel>], iteration_bounds = array<i64: 2, 16>, scalar_prefetch = 0 : i64, scratch_operands = 4 : i64, tpu.core_type = #tpu.core_type<sc_vector_subcore>, window_params = [{transform_indices = #map}, {transform_indices = #map}, {transform_indices = #map1}]} {
    %mul3A = arith.constant 2 : i32
    %mul3A_0 = arith.muli %arg1, %mul3A : i32
    %add3A = arith.addi %mul3A_0, %arg0 : i32
    %mul3A_1 = arith.constant 512 : i32
    %mul3A_2 = arith.muli %add3A, %mul3A_1 : i32
    %broadcast_in_dim3A = arith.constant 0.000000e+00 : f32
    %broadcast_in_dim3A_3 = vector.broadcast %broadcast_in_dim3A : f32 to vector<16xf32>
    %iota3A = tpu.iota {dimensions = array<i32: 0>} : vector<16xi32>
    %dma_start3A = arith.constant 0 : i32
    %dma_start3A_4 = arith.constant 0 : i32
    %dma_start3A_5 = arith.constant 0 : i32
    %dma_start3A_6 = arith.constant 0 : i32
    %dma_start3A_7 = arith.constant 0 : i32
    %dma_start3A_8 = arith.constant 0 : i32
    %dma_start3A_9 = tpu.memref_slice %arg5[%dma_start3A_5, %dma_start3A_7, %dma_start3A_8] : memref<4x30x512xf32, #tpu.memory_space<vmem>> -> memref<1x30x512xf32, #tpu.memory_space<vmem>>
    %dma_start3A_10 = tpu.memref_squeeze %dma_start3A_9 : memref<1x30x512xf32, #tpu.memory_space<vmem>> -> memref<30x512xf32, #tpu.memory_space<vmem>>
    %dma_start3A_11 = arith.constant 0 : i32
    %dma_start3A_12 = tpu.memref_slice %arg2[%dma_start3A, %dma_start3A_4, %dma_start3A_11, %mul3A_2] : memref<7x7x30x16384xf32, #tpu.memory_space<hbm>> -> memref<1x1x30x512xf32, #tpu.memory_space<hbm>>
    %dma_start3A_13 = tpu.memref_squeeze %dma_start3A_12 : memref<1x1x30x512xf32, #tpu.memory_space<hbm>> -> memref<30x512xf32, #tpu.memory_space<hbm>>
    %dma_start3A_14 = tpu.memref_slice %arg8[%dma_start3A_6] : memref<4x!tpu.dma_semaphore, #tpu.memory_space<semaphore_mem>> -> memref<1x!tpu.dma_semaphore, #tpu.memory_space<semaphore_mem>>
    %dma_start3A_15 = tpu.memref_squeeze %dma_start3A_14 : memref<1x!tpu.dma_semaphore, #tpu.memory_space<semaphore_mem>> -> memref<!tpu.dma_semaphore, #tpu.memory_space<semaphore_mem>>
    %dma_start3A_16 = arith.constant 0 : i32
    %dma_start3A_17 = arith.constant 0 : i32
    %dma_start3A_18 = tpu.memref_slice %arg5[%dma_start3A_5, %dma_start3A_16, %dma_start3A_17] : memref<4x30x512xf32, #tpu.memory_space<vmem>> -> memref<1x30x512xf32, #tpu.memory_space<vmem>>
    %dma_start3A_19 = tpu.memref_squeeze %dma_start3A_18 : memref<1x30x512xf32, #tpu.memory_space<vmem>> -> memref<30x512xf32, #tpu.memory_space<vmem>>
    %dma_start3A_20 = arith.constant 0 : i32
    %dma_start3A_21 = tpu.memref_slice %arg2[%dma_start3A, %dma_start3A_4, %dma_start3A_20, %mul3A_2] : memref<7x7x30x16384xf32, #tpu.memory_space<hbm>> -> memref<1x1x30x512xf32, #tpu.memory_space<hbm>>
    %dma_start3A_22 = tpu.memref_squeeze %dma_start3A_21 : memref<1x1x30x512xf32, #tpu.memory_space<hbm>> -> memref<30x512xf32, #tpu.memory_space<hbm>>
    tpu.enqueue_dma source(%dma_start3A_22 : memref<30x512xf32, #tpu.memory_space<hbm>>) target(%dma_start3A_19 : memref<30x512xf32, #tpu.memory_space<vmem>>) target_semaphore(%dma_start3A_15 : memref<!tpu.dma_semaphore, #tpu.memory_space<semaphore_mem>>)
    %dma_start3A_23 = arith.constant 0 : i32
    %dma_start3A_24 = arith.constant 0 : i32
    %dma_start3A_25 = arith.constant 0 : i32
    %dma_start3A_26 = arith.constant 0 : i32
    %dma_start3A_27 = arith.constant 0 : i32
    %dma_start3A_28 = arith.constant 0 : i32
    %dma_start3A_29 = tpu.memref_slice %arg6[%dma_start3A_25, %dma_start3A_27, %dma_start3A_28] : memref<4x5x512xf32, #tpu.memory_space<vmem>> -> memref<1x5x512xf32, #tpu.memory_space<vmem>>
    %dma_start3A_30 = tpu.memref_squeeze %dma_start3A_29 : memref<1x5x512xf32, #tpu.memory_space<vmem>> -> memref<5x512xf32, #tpu.memory_space<vmem>>
    %dma_start3A_31 = arith.constant 0 : i32
    %dma_start3A_32 = tpu.memref_slice %arg3[%dma_start3A_23, %dma_start3A_31, %dma_start3A_24, %mul3A_2] : memref<7x5x7x16384xf32, #tpu.memory_space<hbm>> -> memref<1x5x1x512xf32, #tpu.memory_space<hbm>>
    %dma_start3A_33 = tpu.memref_squeeze %dma_start3A_32 : memref<1x5x1x512xf32, #tpu.memory_space<hbm>> -> memref<5x512xf32, #tpu.memory_space<hbm>>
    %dma_start3A_34 = tpu.memref_slice %arg8[%dma_start3A_26] : memref<4x!tpu.dma_semaphore, #tpu.memory_space<semaphore_mem>> -> memref<1x!tpu.dma_semaphore, #tpu.memory_space<semaphore_mem>>
    %dma_start3A_35 = tpu.memref_squeeze %dma_start3A_34 : memref<1x!tpu.dma_semaphore, #tpu.memory_space<semaphore_mem>> -> memref<!tpu.dma_semaphore, #tpu.memory_space<semaphore_mem>>
    %dma_start3A_36 = arith.constant 0 : i32
    %dma_start3A_37 = arith.constant 0 : i32
    %dma_start3A_38 = tpu.memref_slice %arg6[%dma_start3A_25, %dma_start3A_36, %dma_start3A_37] : memref<4x5x512xf32, #tpu.memory_space<vmem>> -> memref<1x5x512xf32, #tpu.memory_space<vmem>>
    %dma_start3A_39 = tpu.memref_squeeze %dma_start3A_38 : memref<1x5x512xf32, #tpu.memory_space<vmem>> -> memref<5x512xf32, #tpu.memory_space<vmem>>
    %dma_start3A_40 = arith.constant 0 : i32
    %dma_start3A_41 = tpu.memref_slice %arg3[%dma_start3A_23, %dma_start3A_40, %dma_start3A_24, %mul3A_2] : memref<7x5x7x16384xf32, #tpu.memory_space<hbm>> -> memref<1x5x1x512xf32, #tpu.memory_space<hbm>>
    %dma_start3A_42 = tpu.memref_squeeze %dma_start3A_41 : memref<1x5x1x512xf32, #tpu.memory_space<hbm>> -> memref<5x512xf32, #tpu.memory_space<hbm>>
    tpu.enqueue_dma source(%dma_start3A_42 : memref<5x512xf32, #tpu.memory_space<hbm>>) target(%dma_start3A_39 : memref<5x512xf32, #tpu.memory_space<vmem>>) target_semaphore(%dma_start3A_35 : memref<!tpu.dma_semaphore, #tpu.memory_space<semaphore_mem>>)
    %dma_start3A_43 = arith.constant 0 : i32
    %dma_start3A_44 = arith.constant 1 : i32
    %dma_start3A_45 = arith.constant 1 : i32
    %dma_start3A_46 = arith.constant 1 : i32
    %dma_start3A_47 = arith.constant 0 : i32
    %dma_start3A_48 = arith.constant 0 : i32
    %dma_start3A_49 = tpu.memref_slice %arg5[%dma_start3A_45, %dma_start3A_47, %dma_start3A_48] : memref<4x30x512xf32, #tpu.memory_space<vmem>> -> memref<1x30x512xf32, #tpu.memory_space<vmem>>
    %dma_start3A_50 = tpu.memref_squeeze %dma_start3A_49 : memref<1x30x512xf32, #tpu.memory_space<vmem>> -> memref<30x512xf32, #tpu.memory_space<vmem>>
    %dma_start3A_51 = arith.constant 0 : i32
    %dma_start3A_52 = tpu.memref_slice %arg2[%dma_start3A_43, %dma_start3A_44, %dma_start3A_51, %mul3A_2] : memref<7x7x30x16384xf32, #tpu.memory_space<hbm>> -> memref<1x1x30x512xf32, #tpu.memory_space<hbm>>
    %dma_start3A_53 = tpu.memref_squeeze %dma_start3A_52 : memref<1x1x30x512xf32, #tpu.memory_space<hbm>> -> memref<30x512xf32, #tpu.memory_space<hbm>>
    %dma_start3A_54 = tpu.memref_slice %arg8[%dma_start3A_46] : memref<4x!tpu.dma_semaphore, #tpu.memory_space<semaphore_mem>> -> memref<1x!tpu.dma_semaphore, #tpu.memory_space<semaphore_mem>>
    %dma_start3A_55 = tpu.memref_squeeze %dma_start3A_54 : memref<1x!tpu.dma_semaphore, #tpu.memory_space<semaphore_mem>> -> memref<!tpu.dma_semaphore, #tpu.memory_space<semaphore_mem>>
    %dma_start3A_56 = arith.constant 0 : i32
    %dma_start3A_57 = arith.constant 0 : i32
    %dma_start3A_58 = tpu.memref_slice %arg5[%dma_start3A_45, %dma_start3A_56, %dma_start3A_57] : memref<4x30x512xf32, #tpu.memory_space<vmem>> -> memref<1x30x512xf32, #tpu.memory_space<vmem>>
    %dma_start3A_59 = tpu.memref_squeeze %dma_start3A_58 : memref<1x30x512xf32, #tpu.memory_space<vmem>> -> memref<30x512xf32, #tpu.memory_space<vmem>>
    %dma_start3A_60 = arith.constant 0 : i32
    %dma_start3A_61 = tpu.memref_slice %arg2[%dma_start3A_43, %dma_start3A_44, %dma_start3A_60, %mul3A_2] : memref<7x7x30x16384xf32, #tpu.memory_space<hbm>> -> memref<1x1x30x512xf32, #tpu.memory_space<hbm>>
    %dma_start3A_62 = tpu.memref_squeeze %dma_start3A_61 : memref<1x1x30x512xf32, #tpu.memory_space<hbm>> -> memref<30x512xf32, #tpu.memory_space<hbm>>
    tpu.enqueue_dma source(%dma_start3A_62 : memref<30x512xf32, #tpu.memory_space<hbm>>) target(%dma_start3A_59 : memref<30x512xf32, #tpu.memory_space<vmem>>) target_semaphore(%dma_start3A_55 : memref<!tpu.dma_semaphore, #tpu.memory_space<semaphore_mem>>)
    %dma_start3A_63 = arith.constant 0 : i32
    %dma_start3A_64 = arith.constant 1 : i32
    %dma_start3A_65 = arith.constant 1 : i32
    %dma_start3A_66 = arith.constant 1 : i32
    %dma_start3A_67 = arith.constant 0 : i32
    %dma_start3A_68 = arith.constant 0 : i32
    %dma_start3A_69 = tpu.memref_slice %arg6[%dma_start3A_65, %dma_start3A_67, %dma_start3A_68] : memref<4x5x512xf32, #tpu.memory_space<vmem>> -> memref<1x5x512xf32, #tpu.memory_space<vmem>>
    %dma_start3A_70 = tpu.memref_squeeze %dma_start3A_69 : memref<1x5x512xf32, #tpu.memory_space<vmem>> -> memref<5x512xf32, #tpu.memory_space<vmem>>
    %dma_start3A_71 = arith.constant 0 : i32
    %dma_start3A_72 = tpu.memref_slice %arg3[%dma_start3A_63, %dma_start3A_71, %dma_start3A_64, %mul3A_2] : memref<7x5x7x16384xf32, #tpu.memory_space<hbm>> -> memref<1x5x1x512xf32, #tpu.memory_space<hbm>>
    %dma_start3A_73 = tpu.memref_squeeze %dma_start3A_72 : memref<1x5x1x512xf32, #tpu.memory_space<hbm>> -> memref<5x512xf32, #tpu.memory_space<hbm>>
    %dma_start3A_74 = tpu.memref_slice %arg8[%dma_start3A_66] : memref<4x!tpu.dma_semaphore, #tpu.memory_space<semaphore_mem>> -> memref<1x!tpu.dma_semaphore, #tpu.memory_space<semaphore_mem>>
    %dma_start3A_75 = tpu.memref_squeeze %dma_start3A_74 : memref<1x!tpu.dma_semaphore, #tpu.memory_space<semaphore_mem>> -> memref<!tpu.dma_semaphore, #tpu.memory_space<semaphore_mem>>
    %dma_start3A_76 = arith.constant 0 : i32
    %dma_start3A_77 = arith.constant 0 : i32
    %dma_start3A_78 = tpu.memref_slice %arg6[%dma_start3A_65, %dma_start3A_76, %dma_start3A_77] : memref<4x5x512xf32, #tpu.memory_space<vmem>> -> memref<1x5x512xf32, #tpu.memory_space<vmem>>
    %dma_start3A_79 = tpu.memref_squeeze %dma_start3A_78 : memref<1x5x512xf32, #tpu.memory_space<vmem>> -> memref<5x512xf32, #tpu.memory_space<vmem>>
    %dma_start3A_80 = arith.constant 0 : i32
    %dma_start3A_81 = tpu.memref_slice %arg3[%dma_start3A_63, %dma_start3A_80, %dma_start3A_64, %mul3A_2] : memref<7x5x7x16384xf32, #tpu.memory_space<hbm>> -> memref<1x5x1x512xf32, #tpu.memory_space<hbm>>
    %dma_start3A_82 = tpu.memref_squeeze %dma_start3A_81 : memref<1x5x1x512xf32, #tpu.memory_space<hbm>> -> memref<5x512xf32, #tpu.memory_space<hbm>>
    tpu.enqueue_dma source(%dma_start3A_82 : memref<5x512xf32, #tpu.memory_space<hbm>>) target(%dma_start3A_79 : memref<5x512xf32, #tpu.memory_space<vmem>>) target_semaphore(%dma_start3A_75 : memref<!tpu.dma_semaphore, #tpu.memory_space<semaphore_mem>>)
    %dma_start3A_83 = arith.constant 0 : i32
    %dma_start3A_84 = arith.constant 2 : i32
    %dma_start3A_85 = arith.constant 2 : i32
    %dma_start3A_86 = arith.constant 2 : i32
    %dma_start3A_87 = arith.constant 0 : i32
    %dma_start3A_88 = arith.constant 0 : i32
    %dma_start3A_89 = tpu.memref_slice %arg5[%dma_start3A_85, %dma_start3A_87, %dma_start3A_88] : memref<4x30x512xf32, #tpu.memory_space<vmem>> -> memref<1x30x512xf32, #tpu.memory_space<vmem>>
    %dma_start3A_90 = tpu.memref_squeeze %dma_start3A_89 : memref<1x30x512xf32, #tpu.memory_space<vmem>> -> memref<30x512xf32, #tpu.memory_space<vmem>>
    %dma_start3A_91 = arith.constant 0 : i32
    %dma_start3A_92 = tpu.memref_slice %arg2[%dma_start3A_83, %dma_start3A_84, %dma_start3A_91, %mul3A_2] : memref<7x7x30x16384xf32, #tpu.memory_space<hbm>> -> memref<1x1x30x512xf32, #tpu.memory_space<hbm>>
    %dma_start3A_93 = tpu.memref_squeeze %dma_start3A_92 : memref<1x1x30x512xf32, #tpu.memory_space<hbm>> -> memref<30x512xf32, #tpu.memory_space<hbm>>
    %dma_start3A_94 = tpu.memref_slice %arg8[%dma_start3A_86] : memref<4x!tpu.dma_semaphore, #tpu.memory_space<semaphore_mem>> -> memref<1x!tpu.dma_semaphore, #tpu.memory_space<semaphore_mem>>
    %dma_start3A_95 = tpu.memref_squeeze %dma_start3A_94 : memref<1x!tpu.dma_semaphore, #tpu.memory_space<semaphore_mem>> -> memref<!tpu.dma_semaphore, #tpu.memory_space<semaphore_mem>>
    %dma_start3A_96 = arith.constant 0 : i32
    %dma_start3A_97 = arith.constant 0 : i32
    %dma_start3A_98 = tpu.memref_slice %arg5[%dma_start3A_85, %dma_start3A_96, %dma_start3A_97] : memref<4x30x512xf32, #tpu.memory_space<vmem>> -> memref<1x30x512xf32, #tpu.memory_space<vmem>>
    %dma_start3A_99 = tpu.memref_squeeze %dma_start3A_98 : memref<1x30x512xf32, #tpu.memory_space<vmem>> -> memref<30x512xf32, #tpu.memory_space<vmem>>
    %dma_start3A_100 = arith.constant 0 : i32
    %dma_start3A_101 = tpu.memref_slice %arg2[%dma_start3A_83, %dma_start3A_84, %dma_start3A_100, %mul3A_2] : memref<7x7x30x16384xf32, #tpu.memory_space<hbm>> -> memref<1x1x30x512xf32, #tpu.memory_space<hbm>>
    %dma_start3A_102 = tpu.memref_squeeze %dma_start3A_101 : memref<1x1x30x512xf32, #tpu.memory_space<hbm>> -> memref<30x512xf32, #tpu.memory_space<hbm>>
    tpu.enqueue_dma source(%dma_start3A_102 : memref<30x512xf32, #tpu.memory_space<hbm>>) target(%dma_start3A_99 : memref<30x512xf32, #tpu.memory_space<vmem>>) target_semaphore(%dma_start3A_95 : memref<!tpu.dma_semaphore, #tpu.memory_space<semaphore_mem>>)
    %dma_start3A_103 = arith.constant 0 : i32
    %dma_start3A_104 = arith.constant 2 : i32
    %dma_start3A_105 = arith.constant 2 : i32
    %dma_start3A_106 = arith.constant 2 : i32
    %dma_start3A_107 = arith.constant 0 : i32
    %dma_start3A_108 = arith.constant 0 : i32
    %dma_start3A_109 = tpu.memref_slice %arg6[%dma_start3A_105, %dma_start3A_107, %dma_start3A_108] : memref<4x5x512xf32, #tpu.memory_space<vmem>> -> memref<1x5x512xf32, #tpu.memory_space<vmem>>
    %dma_start3A_110 = tpu.memref_squeeze %dma_start3A_109 : memref<1x5x512xf32, #tpu.memory_space<vmem>> -> memref<5x512xf32, #tpu.memory_space<vmem>>
    %dma_start3A_111 = arith.constant 0 : i32
    %dma_start3A_112 = tpu.memref_slice %arg3[%dma_start3A_103, %dma_start3A_111, %dma_start3A_104, %mul3A_2] : memref<7x5x7x16384xf32, #tpu.memory_space<hbm>> -> memref<1x5x1x512xf32, #tpu.memory_space<hbm>>
    %dma_start3A_113 = tpu.memref_squeeze %dma_start3A_112 : memref<1x5x1x512xf32, #tpu.memory_space<hbm>> -> memref<5x512xf32, #tpu.memory_space<hbm>>
    %dma_start3A_114 = tpu.memref_slice %arg8[%dma_start3A_106] : memref<4x!tpu.dma_semaphore, #tpu.memory_space<semaphore_mem>> -> memref<1x!tpu.dma_semaphore, #tpu.memory_space<semaphore_mem>>
    %dma_start3A_115 = tpu.memref_squeeze %dma_start3A_114 : memref<1x!tpu.dma_semaphore, #tpu.memory_space<semaphore_mem>> -> memref<!tpu.dma_semaphore, #tpu.memory_space<semaphore_mem>>
    %dma_start3A_116 = arith.constant 0 : i32
    %dma_start3A_117 = arith.constant 0 : i32
    %dma_start3A_118 = tpu.memref_slice %arg6[%dma_start3A_105, %dma_start3A_116, %dma_start3A_117] : memref<4x5x512xf32, #tpu.memory_space<vmem>> -> memref<1x5x512xf32, #tpu.memory_space<vmem>>
    %dma_start3A_119 = tpu.memref_squeeze %dma_start3A_118 : memref<1x5x512xf32, #tpu.memory_space<vmem>> -> memref<5x512xf32, #tpu.memory_space<vmem>>
    %dma_start3A_120 = arith.constant 0 : i32
    %dma_start3A_121 = tpu.memref_slice %arg3[%dma_start3A_103, %dma_start3A_120, %dma_start3A_104, %mul3A_2] : memref<7x5x7x16384xf32, #tpu.memory_space<hbm>> -> memref<1x5x1x512xf32, #tpu.memory_space<hbm>>
    %dma_start3A_122 = tpu.memref_squeeze %dma_start3A_121 : memref<1x5x1x512xf32, #tpu.memory_space<hbm>> -> memref<5x512xf32, #tpu.memory_space<hbm>>
    tpu.enqueue_dma source(%dma_start3A_122 : memref<5x512xf32, #tpu.memory_space<hbm>>) target(%dma_start3A_119 : memref<5x512xf32, #tpu.memory_space<vmem>>) target_semaphore(%dma_start3A_115 : memref<!tpu.dma_semaphore, #tpu.memory_space<semaphore_mem>>)
    %scan3A = arith.constant 0 : i32
    %scan3A_123 = arith.constant 49 : i32
    %scan3A_124 = arith.addi %scan3A, %scan3A_123 : i32
    %scan3A_125 = arith.constant 1 : i32
    %scan3A_126:4 = scf.for %scan3A_139 = %scan3A to %scan3A_124 step %scan3A_125 iter_args(%scan3A_140 = %broadcast_in_dim3A_3, %scan3A_141 = %broadcast_in_dim3A_3, %scan3A_142 = %broadcast_in_dim3A_3, %scan3A_143 = %broadcast_in_dim3A_3) -> (vector<16xf32>, vector<16xf32>, vector<16xf32>, vector<16xf32>)  : i32 {
      %rem3A = arith.constant 4 : i32
      %rem3A_144 = arith.remsi %scan3A_139, %rem3A : i32
      %add3A_145 = arith.constant 3 : i32
      %add3A_146 = arith.addi %scan3A_139, %add3A_145 : i32
      %lt3A = arith.constant 49 : i32
      %lt3A_147 = arith.cmpi slt, %add3A_146, %lt3A : i32
      %convert_element_type3A = arith.extui %lt3A_147 : i1 to i32
      %cond3A = arith.constant 0 : i32
      %cond3A_148 = arith.cmpi ne, %convert_element_type3A, %cond3A : i32
      scf.if %cond3A_148 {
        %add3A_203 = arith.constant 3 : i32
        %add3A_204 = arith.addi %scan3A_139, %add3A_203 : i32
        %add3A_205 = arith.constant 3 : i32
        %add3A_206 = arith.addi %scan3A_139, %add3A_205 : i32
        %rem3A_207 = arith.constant 4 : i32
        %rem3A_208 = arith.remsi %add3A_206, %rem3A_207 : i32
        %jit3A_209 = arith.constant 7 : i32
        %div3A_210 = arith.divsi %add3A_204, %jit3A_209 : i32
        %sign3A_211 = arith.constant 0 : i32
        %sign3A_212 = arith.cmpi sgt, %add3A_204, %sign3A_211 : i32
        %sign3A_213 = arith.extui %sign3A_212 : i1 to i32
        %sign3A_214 = arith.constant 0 : i32
        %sign3A_215 = arith.cmpi slt, %add3A_204, %sign3A_214 : i32
        %sign3A_216 = arith.extui %sign3A_215 : i1 to i32
        %sign3A_217 = arith.subi %sign3A_213, %sign3A_216 : i32
        %sign3A_218 = arith.constant 0 : i32
        %sign3A_219 = arith.cmpi sgt, %jit3A_209, %sign3A_218 : i32
        %sign3A_220 = arith.extui %sign3A_219 : i1 to i32
        %sign3A_221 = arith.constant 0 : i32
        %sign3A_222 = arith.cmpi slt, %jit3A_209, %sign3A_221 : i32
        %sign3A_223 = arith.extui %sign3A_222 : i1 to i32
        %sign3A_224 = arith.subi %sign3A_220, %sign3A_223 : i32
        %ne3A_225 = arith.cmpi ne, %sign3A_217, %sign3A_224 : i32
        %rem3A_226 = arith.remsi %add3A_204, %jit3A_209 : i32
        %ne3A_227 = arith.constant 0 : i32
        %ne3A_228 = arith.cmpi ne, %rem3A_226, %ne3A_227 : i32
        %and3A_229 = arith.andi %ne3A_225, %ne3A_228 : i1
        %sub3A_230 = arith.constant 1 : i32
        %sub3A_231 = arith.subi %div3A_210, %sub3A_230 : i32
        %select_n3A_232 = arith.select %and3A_229, %sub3A_231, %div3A_210 : i32
        %mul3A_233 = arith.constant 7 : i32
        %mul3A_234 = arith.muli %select_n3A_232, %mul3A_233 : i32
        %sub3A_235 = arith.subi %add3A_204, %mul3A_234 : i32
        %dma_start3A_236 = arith.constant 0 : i32
        %dma_start3A_237 = arith.constant 0 : i32
        %dma_start3A_238 = tpu.memref_slice %arg5[%rem3A_208, %dma_start3A_236, %dma_start3A_237] : memref<4x30x512xf32, #tpu.memory_space<vmem>> -> memref<1x30x512xf32, #tpu.memory_space<vmem>>
        %dma_start3A_239 = tpu.memref_squeeze %dma_start3A_238 : memref<1x30x512xf32, #tpu.memory_space<vmem>> -> memref<30x512xf32, #tpu.memory_space<vmem>>
        %dma_start3A_240 = arith.constant 0 : i32
        %dma_start3A_241 = tpu.memref_slice %arg2[%select_n3A_232, %sub3A_235, %dma_start3A_240, %mul3A_2] : memref<7x7x30x16384xf32, #tpu.memory_space<hbm>> -> memref<1x1x30x512xf32, #tpu.memory_space<hbm>>
        %dma_start3A_242 = tpu.memref_squeeze %dma_start3A_241 : memref<1x1x30x512xf32, #tpu.memory_space<hbm>> -> memref<30x512xf32, #tpu.memory_space<hbm>>
        %dma_start3A_243 = tpu.memref_slice %arg8[%rem3A_208] : memref<4x!tpu.dma_semaphore, #tpu.memory_space<semaphore_mem>> -> memref<1x!tpu.dma_semaphore, #tpu.memory_space<semaphore_mem>>
        %dma_start3A_244 = tpu.memref_squeeze %dma_start3A_243 : memref<1x!tpu.dma_semaphore, #tpu.memory_space<semaphore_mem>> -> memref<!tpu.dma_semaphore, #tpu.memory_space<semaphore_mem>>
        %dma_start3A_245 = arith.constant 0 : i32
        %dma_start3A_246 = arith.constant 0 : i32
        %dma_start3A_247 = tpu.memref_slice %arg5[%rem3A_208, %dma_start3A_245, %dma_start3A_246] : memref<4x30x512xf32, #tpu.memory_space<vmem>> -> memref<1x30x512xf32, #tpu.memory_space<vmem>>
        %dma_start3A_248 = tpu.memref_squeeze %dma_start3A_247 : memref<1x30x512xf32, #tpu.memory_space<vmem>> -> memref<30x512xf32, #tpu.memory_space<vmem>>
        %dma_start3A_249 = arith.constant 0 : i32
        %dma_start3A_250 = tpu.memref_slice %arg2[%select_n3A_232, %sub3A_235, %dma_start3A_249, %mul3A_2] : memref<7x7x30x16384xf32, #tpu.memory_space<hbm>> -> memref<1x1x30x512xf32, #tpu.memory_space<hbm>>
        %dma_start3A_251 = tpu.memref_squeeze %dma_start3A_250 : memref<1x1x30x512xf32, #tpu.memory_space<hbm>> -> memref<30x512xf32, #tpu.memory_space<hbm>>
        tpu.enqueue_dma source(%dma_start3A_251 : memref<30x512xf32, #tpu.memory_space<hbm>>) target(%dma_start3A_248 : memref<30x512xf32, #tpu.memory_space<vmem>>) target_semaphore(%dma_start3A_244 : memref<!tpu.dma_semaphore, #tpu.memory_space<semaphore_mem>>)
        %dma_start3A_252 = arith.constant 0 : i32
        %dma_start3A_253 = arith.constant 0 : i32
        %dma_start3A_254 = tpu.memref_slice %arg6[%rem3A_208, %dma_start3A_252, %dma_start3A_253] : memref<4x5x512xf32, #tpu.memory_space<vmem>> -> memref<1x5x512xf32, #tpu.memory_space<vmem>>
        %dma_start3A_255 = tpu.memref_squeeze %dma_start3A_254 : memref<1x5x512xf32, #tpu.memory_space<vmem>> -> memref<5x512xf32, #tpu.memory_space<vmem>>
        %dma_start3A_256 = arith.constant 0 : i32
        %dma_start3A_257 = tpu.memref_slice %arg3[%select_n3A_232, %dma_start3A_256, %sub3A_235, %mul3A_2] : memref<7x5x7x16384xf32, #tpu.memory_space<hbm>> -> memref<1x5x1x512xf32, #tpu.memory_space<hbm>>
        %dma_start3A_258 = tpu.memref_squeeze %dma_start3A_257 : memref<1x5x1x512xf32, #tpu.memory_space<hbm>> -> memref<5x512xf32, #tpu.memory_space<hbm>>
        %dma_start3A_259 = tpu.memref_slice %arg8[%rem3A_208] : memref<4x!tpu.dma_semaphore, #tpu.memory_space<semaphore_mem>> -> memref<1x!tpu.dma_semaphore, #tpu.memory_space<semaphore_mem>>
        %dma_start3A_260 = tpu.memref_squeeze %dma_start3A_259 : memref<1x!tpu.dma_semaphore, #tpu.memory_space<semaphore_mem>> -> memref<!tpu.dma_semaphore, #tpu.memory_space<semaphore_mem>>
        %dma_start3A_261 = arith.constant 0 : i32
        %dma_start3A_262 = arith.constant 0 : i32
        %dma_start3A_263 = tpu.memref_slice %arg6[%rem3A_208, %dma_start3A_261, %dma_start3A_262] : memref<4x5x512xf32, #tpu.memory_space<vmem>> -> memref<1x5x512xf32, #tpu.memory_space<vmem>>
        %dma_start3A_264 = tpu.memref_squeeze %dma_start3A_263 : memref<1x5x512xf32, #tpu.memory_space<vmem>> -> memref<5x512xf32, #tpu.memory_space<vmem>>
        %dma_start3A_265 = arith.constant 0 : i32
        %dma_start3A_266 = tpu.memref_slice %arg3[%select_n3A_232, %dma_start3A_265, %sub3A_235, %mul3A_2] : memref<7x5x7x16384xf32, #tpu.memory_space<hbm>> -> memref<1x5x1x512xf32, #tpu.memory_space<hbm>>
        %dma_start3A_267 = tpu.memref_squeeze %dma_start3A_266 : memref<1x5x1x512xf32, #tpu.memory_space<hbm>> -> memref<5x512xf32, #tpu.memory_space<hbm>>
        tpu.enqueue_dma source(%dma_start3A_267 : memref<5x512xf32, #tpu.memory_space<hbm>>) target(%dma_start3A_264 : memref<5x512xf32, #tpu.memory_space<vmem>>) target_semaphore(%dma_start3A_260 : memref<!tpu.dma_semaphore, #tpu.memory_space<semaphore_mem>>)
      } else {
      }
      %jit3A = arith.constant 7 : i32
      %div3A = arith.divsi %scan3A_139, %jit3A : i32
      %sign3A = arith.constant 0 : i32
      %sign3A_149 = arith.cmpi sgt, %scan3A_139, %sign3A : i32
      %sign3A_150 = arith.extui %sign3A_149 : i1 to i32
      %sign3A_151 = arith.constant 0 : i32
      %sign3A_152 = arith.cmpi slt, %scan3A_139, %sign3A_151 : i32
      %sign3A_153 = arith.extui %sign3A_152 : i1 to i32
      %sign3A_154 = arith.subi %sign3A_150, %sign3A_153 : i32
      %sign3A_155 = arith.constant 0 : i32
      %sign3A_156 = arith.cmpi sgt, %jit3A, %sign3A_155 : i32
      %sign3A_157 = arith.extui %sign3A_156 : i1 to i32
      %sign3A_158 = arith.constant 0 : i32
      %sign3A_159 = arith.cmpi slt, %jit3A, %sign3A_158 : i32
      %sign3A_160 = arith.extui %sign3A_159 : i1 to i32
      %sign3A_161 = arith.subi %sign3A_157, %sign3A_160 : i32
      %ne3A = arith.cmpi ne, %sign3A_154, %sign3A_161 : i32
      %rem3A_162 = arith.remsi %scan3A_139, %jit3A : i32
      %ne3A_163 = arith.constant 0 : i32
      %ne3A_164 = arith.cmpi ne, %rem3A_162, %ne3A_163 : i32
      %and3A = arith.andi %ne3A, %ne3A_164 : i1
      %sub3A = arith.constant 1 : i32
      %sub3A_165 = arith.subi %div3A, %sub3A : i32
      %select_n3A = arith.select %and3A, %sub3A_165, %div3A : i32
      %mul3A_166 = arith.constant 7 : i32
      %mul3A_167 = arith.muli %select_n3A, %mul3A_166 : i32
      %sub3A_168 = arith.subi %scan3A_139, %mul3A_167 : i32
      %dma_wait3A = arith.constant 0 : i32
      %dma_wait3A_169 = arith.constant 0 : i32
      %dma_wait3A_170 = tpu.memref_slice %arg5[%rem3A_144, %dma_wait3A, %dma_wait3A_169] : memref<4x30x512xf32, #tpu.memory_space<vmem>> -> memref<1x30x512xf32, #tpu.memory_space<vmem>>
      %dma_wait3A_171 = tpu.memref_squeeze %dma_wait3A_170 : memref<1x30x512xf32, #tpu.memory_space<vmem>> -> memref<30x512xf32, #tpu.memory_space<vmem>>
      %dma_wait3A_172 = arith.constant 0 : i32
      %dma_wait3A_173 = tpu.memref_slice %arg2[%select_n3A, %sub3A_168, %dma_wait3A_172, %mul3A_2] : memref<7x7x30x16384xf32, #tpu.memory_space<hbm>> -> memref<1x1x30x512xf32, #tpu.memory_space<hbm>>
      %dma_wait3A_174 = tpu.memref_squeeze %dma_wait3A_173 : memref<1x1x30x512xf32, #tpu.memory_space<hbm>> -> memref<30x512xf32, #tpu.memory_space<hbm>>
      %dma_wait3A_175 = tpu.memref_slice %arg8[%rem3A_144] : memref<4x!tpu.dma_semaphore, #tpu.memory_space<semaphore_mem>> -> memref<1x!tpu.dma_semaphore, #tpu.memory_space<semaphore_mem>>
      %dma_wait3A_176 = tpu.memref_squeeze %dma_wait3A_175 : memref<1x!tpu.dma_semaphore, #tpu.memory_space<semaphore_mem>> -> memref<!tpu.dma_semaphore, #tpu.memory_space<semaphore_mem>>
      %dma_wait3A_177 = arith.constant 0 : i32
      %dma_wait3A_178 = arith.constant 0 : i32
      %dma_wait3A_179 = tpu.memref_slice %arg5[%rem3A_144, %dma_wait3A_177, %dma_wait3A_178] : memref<4x30x512xf32, #tpu.memory_space<vmem>> -> memref<1x30x512xf32, #tpu.memory_space<vmem>>
      %dma_wait3A_180 = tpu.memref_squeeze %dma_wait3A_179 : memref<1x30x512xf32, #tpu.memory_space<vmem>> -> memref<30x512xf32, #tpu.memory_space<vmem>>
      %dma_wait3A_181 = arith.constant 0 : i32
      %dma_wait3A_182 = tpu.memref_slice %arg2[%select_n3A, %sub3A_168, %dma_wait3A_181, %mul3A_2] : memref<7x7x30x16384xf32, #tpu.memory_space<hbm>> -> memref<1x1x30x512xf32, #tpu.memory_space<hbm>>
      %dma_wait3A_183 = tpu.memref_squeeze %dma_wait3A_182 : memref<1x1x30x512xf32, #tpu.memory_space<hbm>> -> memref<30x512xf32, #tpu.memory_space<hbm>>
      tpu.wait_dma2 semaphore(%dma_wait3A_176 : memref<!tpu.dma_semaphore, #tpu.memory_space<semaphore_mem>>) src(%dma_wait3A_183 : memref<30x512xf32, #tpu.memory_space<hbm>>) dst(%dma_wait3A_180 : memref<30x512xf32, #tpu.memory_space<vmem>>)
      %dma_wait3A_184 = arith.constant 0 : i32
      %dma_wait3A_185 = arith.constant 0 : i32
      %dma_wait3A_186 = tpu.memref_slice %arg6[%rem3A_144, %dma_wait3A_184, %dma_wait3A_185] : memref<4x5x512xf32, #tpu.memory_space<vmem>> -> memref<1x5x512xf32, #tpu.memory_space<vmem>>
      %dma_wait3A_187 = tpu.memref_squeeze %dma_wait3A_186 : memref<1x5x512xf32, #tpu.memory_space<vmem>> -> memref<5x512xf32, #tpu.memory_space<vmem>>
      %dma_wait3A_188 = arith.constant 0 : i32
      %dma_wait3A_189 = tpu.memref_slice %arg3[%select_n3A, %dma_wait3A_188, %sub3A_168, %mul3A_2] : memref<7x5x7x16384xf32, #tpu.memory_space<hbm>> -> memref<1x5x1x512xf32, #tpu.memory_space<hbm>>
      %dma_wait3A_190 = tpu.memref_squeeze %dma_wait3A_189 : memref<1x5x1x512xf32, #tpu.memory_space<hbm>> -> memref<5x512xf32, #tpu.memory_space<hbm>>
      %dma_wait3A_191 = tpu.memref_slice %arg8[%rem3A_144] : memref<4x!tpu.dma_semaphore, #tpu.memory_space<semaphore_mem>> -> memref<1x!tpu.dma_semaphore, #tpu.memory_space<semaphore_mem>>
      %dma_wait3A_192 = tpu.memref_squeeze %dma_wait3A_191 : memref<1x!tpu.dma_semaphore, #tpu.memory_space<semaphore_mem>> -> memref<!tpu.dma_semaphore, #tpu.memory_space<semaphore_mem>>
      %dma_wait3A_193 = arith.constant 0 : i32
      %dma_wait3A_194 = arith.constant 0 : i32
      %dma_wait3A_195 = tpu.memref_slice %arg6[%rem3A_144, %dma_wait3A_193, %dma_wait3A_194] : memref<4x5x512xf32, #tpu.memory_space<vmem>> -> memref<1x5x512xf32, #tpu.memory_space<vmem>>
      %dma_wait3A_196 = tpu.memref_squeeze %dma_wait3A_195 : memref<1x5x512xf32, #tpu.memory_space<vmem>> -> memref<5x512xf32, #tpu.memory_space<vmem>>
      %dma_wait3A_197 = arith.constant 0 : i32
      %dma_wait3A_198 = tpu.memref_slice %arg3[%select_n3A, %dma_wait3A_197, %sub3A_168, %mul3A_2] : memref<7x5x7x16384xf32, #tpu.memory_space<hbm>> -> memref<1x5x1x512xf32, #tpu.memory_space<hbm>>
      %dma_wait3A_199 = tpu.memref_squeeze %dma_wait3A_198 : memref<1x5x1x512xf32, #tpu.memory_space<hbm>> -> memref<5x512xf32, #tpu.memory_space<hbm>>
      tpu.wait_dma2 semaphore(%dma_wait3A_192 : memref<!tpu.dma_semaphore, #tpu.memory_space<semaphore_mem>>) src(%dma_wait3A_199 : memref<5x512xf32, #tpu.memory_space<hbm>>) dst(%dma_wait3A_196 : memref<5x512xf32, #tpu.memory_space<vmem>>)
      %parallel_loop3A = arith.constant 0 : i32
      %parallel_loop3A_200 = arith.constant 32 : i32
      %parallel_loop3A_201 = arith.constant 1 : i32
      %parallel_loop3A_202:4 = scf.for %parallel_loop3A_203 = %parallel_loop3A to %parallel_loop3A_200 step %parallel_loop3A_201 iter_args(%parallel_loop3A_204 = %scan3A_140, %parallel_loop3A_205 = %scan3A_141, %parallel_loop3A_206 = %scan3A_142, %parallel_loop3A_207 = %scan3A_143) -> (vector<16xf32>, vector<16xf32>, vector<16xf32>, vector<16xf32>)  : i32 {
        %parallel_loop3A_208 = arith.constant 16 : i32
        %parallel_loop3A_209 = arith.muli %parallel_loop3A_203, %parallel_loop3A_208 : i32
        %parallel_loop3A_210 = arith.constant 0 : i32
        %parallel_loop3A_211 = arith.index_cast %rem3A_144 : i32 to index
        %parallel_loop3A_212 = arith.index_cast %parallel_loop3A_210 : i32 to index
        %parallel_loop3A_213 = arith.index_cast %parallel_loop3A_209 : i32 to index
        %parallel_loop3A_214 = tpu.vector_load %arg6[%parallel_loop3A_211, %parallel_loop3A_212, %parallel_loop3A_213] {strides = array<i32>} : memref<4x5x512xf32, #tpu.memory_space<vmem>>, vector<16xf32>,
        %parallel_loop3A_215 = arith.constant 1 : i32
        %parallel_loop3A_216 = arith.index_cast %rem3A_144 : i32 to index
        %parallel_loop3A_217 = arith.index_cast %parallel_loop3A_215 : i32 to index
        %parallel_loop3A_218 = arith.index_cast %parallel_loop3A_209 : i32 to index
        %parallel_loop3A_219 = tpu.vector_load %arg6[%parallel_loop3A_216, %parallel_loop3A_217, %parallel_loop3A_218] {strides = array<i32>} : memref<4x5x512xf32, #tpu.memory_space<vmem>>, vector<16xf32>,
        %parallel_loop3A_220 = arith.constant 2 : i32
        %parallel_loop3A_221 = arith.index_cast %rem3A_144 : i32 to index
        %parallel_loop3A_222 = arith.index_cast %parallel_loop3A_220 : i32 to index
        %parallel_loop3A_223 = arith.index_cast %parallel_loop3A_209 : i32 to index
        %parallel_loop3A_224 = tpu.vector_load %arg6[%parallel_loop3A_221, %parallel_loop3A_222, %parallel_loop3A_223] {strides = array<i32>} : memref<4x5x512xf32, #tpu.memory_space<vmem>>, vector<16xf32>,
        %parallel_loop3A_225 = arith.constant 3 : i32
        %parallel_loop3A_226 = arith.index_cast %rem3A_144 : i32 to index
        %parallel_loop3A_227 = arith.index_cast %parallel_loop3A_225 : i32 to index
        %parallel_loop3A_228 = arith.index_cast %parallel_loop3A_209 : i32 to index
        %parallel_loop3A_229 = tpu.vector_load %arg6[%parallel_loop3A_226, %parallel_loop3A_227, %parallel_loop3A_228] {strides = array<i32>} : memref<4x5x512xf32, #tpu.memory_space<vmem>>, vector<16xf32>,
        %parallel_loop3A_230 = arith.constant 4 : i32
        %parallel_loop3A_231 = arith.index_cast %rem3A_144 : i32 to index
        %parallel_loop3A_232 = arith.index_cast %parallel_loop3A_230 : i32 to index
        %parallel_loop3A_233 = arith.index_cast %parallel_loop3A_209 : i32 to index
        %parallel_loop3A_234 = tpu.vector_load %arg6[%parallel_loop3A_231, %parallel_loop3A_232, %parallel_loop3A_233] {strides = array<i32>} : memref<4x5x512xf32, #tpu.memory_space<vmem>>, vector<16xf32>,
        %parallel_loop3A_235 = arith.constant 0.000000e+00 : f32
        %parallel_loop3A_236 = vector.broadcast %parallel_loop3A_235 : f32 to vector<16xf32>
        %parallel_loop3A_237 = arith.cmpf ogt, %parallel_loop3A_229, %parallel_loop3A_236 : vector<16xf32>
        %parallel_loop3A_238 = arith.constant 5.000000e-01 : f32
        %parallel_loop3A_239 = vector.broadcast %parallel_loop3A_238 : f32 to vector<16xf32>
        %parallel_loop3A_240 = arith.mulf %parallel_loop3A_224, %parallel_loop3A_239 : vector<16xf32>
        %parallel_loop3A_241 = arith.subf %parallel_loop3A_214, %parallel_loop3A_240 : vector<16xf32>
        %parallel_loop3A_242 = arith.constant 5.000000e-01 : f32
        %parallel_loop3A_243 = vector.broadcast %parallel_loop3A_242 : f32 to vector<16xf32>
        %parallel_loop3A_244 = arith.mulf %parallel_loop3A_224, %parallel_loop3A_243 : vector<16xf32>
        %parallel_loop3A_245 = arith.addf %parallel_loop3A_214, %parallel_loop3A_244 : vector<16xf32>
        %parallel_loop3A_246 = arith.constant 5.000000e-01 : f32
        %parallel_loop3A_247 = vector.broadcast %parallel_loop3A_246 : f32 to vector<16xf32>
        %parallel_loop3A_248 = arith.mulf %parallel_loop3A_229, %parallel_loop3A_247 : vector<16xf32>
        %parallel_loop3A_249 = arith.subf %parallel_loop3A_219, %parallel_loop3A_248 : vector<16xf32>
        %parallel_loop3A_250 = arith.constant 5.000000e-01 : f32
        %parallel_loop3A_251 = vector.broadcast %parallel_loop3A_250 : f32 to vector<16xf32>
        %parallel_loop3A_252 = arith.mulf %parallel_loop3A_229, %parallel_loop3A_251 : vector<16xf32>
        %parallel_loop3A_253 = arith.addf %parallel_loop3A_219, %parallel_loop3A_252 : vector<16xf32>
        %parallel_loop3A_254 = arith.mulf %parallel_loop3A_224, %parallel_loop3A_229 : vector<16xf32>
        %parallel_loop3A_255 = arith.constant 0 : i32
        %parallel_loop3A_256 = arith.index_cast %rem3A_144 : i32 to index
        %parallel_loop3A_257 = arith.index_cast %parallel_loop3A_255 : i32 to index
        %parallel_loop3A_258 = arith.index_cast %parallel_loop3A_209 : i32 to index
        %parallel_loop3A_259 = tpu.vector_load %arg5[%parallel_loop3A_256, %parallel_loop3A_257, %parallel_loop3A_258] {strides = array<i32>} : memref<4x30x512xf32, #tpu.memory_space<vmem>>, vector<16xf32>,
        %parallel_loop3A_260 = arith.constant 1 : i32
        %parallel_loop3A_261 = arith.index_cast %rem3A_144 : i32 to index
        %parallel_loop3A_262 = arith.index_cast %parallel_loop3A_260 : i32 to index
        %parallel_loop3A_263 = arith.index_cast %parallel_loop3A_209 : i32 to index
        %parallel_loop3A_264 = tpu.vector_load %arg5[%parallel_loop3A_261, %parallel_loop3A_262, %parallel_loop3A_263] {strides = array<i32>} : memref<4x30x512xf32, #tpu.memory_space<vmem>>, vector<16xf32>,
        %parallel_loop3A_265 = arith.constant 2 : i32
        %parallel_loop3A_266 = arith.index_cast %rem3A_144 : i32 to index
        %parallel_loop3A_267 = arith.index_cast %parallel_loop3A_265 : i32 to index
        %parallel_loop3A_268 = arith.index_cast %parallel_loop3A_209 : i32 to index
        %parallel_loop3A_269 = tpu.vector_load %arg5[%parallel_loop3A_266, %parallel_loop3A_267, %parallel_loop3A_268] {strides = array<i32>} : memref<4x30x512xf32, #tpu.memory_space<vmem>>, vector<16xf32>,
        %parallel_loop3A_270 = arith.constant 3 : i32
        %parallel_loop3A_271 = arith.index_cast %rem3A_144 : i32 to index
        %parallel_loop3A_272 = arith.index_cast %parallel_loop3A_270 : i32 to index
        %parallel_loop3A_273 = arith.index_cast %parallel_loop3A_209 : i32 to index
        %parallel_loop3A_274 = tpu.vector_load %arg5[%parallel_loop3A_271, %parallel_loop3A_272, %parallel_loop3A_273] {strides = array<i32>} : memref<4x30x512xf32, #tpu.memory_space<vmem>>, vector<16xf32>,
        %parallel_loop3A_275 = arith.constant 4 : i32
        %parallel_loop3A_276 = arith.index_cast %rem3A_144 : i32 to index
        %parallel_loop3A_277 = arith.index_cast %parallel_loop3A_275 : i32 to index
        %parallel_loop3A_278 = arith.index_cast %parallel_loop3A_209 : i32 to index
        %parallel_loop3A_279 = tpu.vector_load %arg5[%parallel_loop3A_276, %parallel_loop3A_277, %parallel_loop3A_278] {strides = array<i32>} : memref<4x30x512xf32, #tpu.memory_space<vmem>>, vector<16xf32>,
        %parallel_loop3A_280 = arith.constant 5.000000e-01 : f32
        %parallel_loop3A_281 = vector.broadcast %parallel_loop3A_280 : f32 to vector<16xf32>
        %parallel_loop3A_282 = arith.mulf %parallel_loop3A_274, %parallel_loop3A_281 : vector<16xf32>
        %parallel_loop3A_283 = arith.subf %parallel_loop3A_264, %parallel_loop3A_282 : vector<16xf32>
        %parallel_loop3A_284 = arith.constant 5.000000e-01 : f32
        %parallel_loop3A_285 = vector.broadcast %parallel_loop3A_284 : f32 to vector<16xf32>
        %parallel_loop3A_286 = arith.mulf %parallel_loop3A_274, %parallel_loop3A_285 : vector<16xf32>
        %parallel_loop3A_287 = arith.addf %parallel_loop3A_264, %parallel_loop3A_286 : vector<16xf32>
        %parallel_loop3A_288 = arith.constant 5.000000e-01 : f32
        %parallel_loop3A_289 = vector.broadcast %parallel_loop3A_288 : f32 to vector<16xf32>
        %parallel_loop3A_290 = arith.mulf %parallel_loop3A_279, %parallel_loop3A_289 : vector<16xf32>
        %parallel_loop3A_291 = arith.subf %parallel_loop3A_269, %parallel_loop3A_290 : vector<16xf32>
        %parallel_loop3A_292 = arith.constant 5.000000e-01 : f32
        %parallel_loop3A_293 = vector.broadcast %parallel_loop3A_292 : f32 to vector<16xf32>
        %parallel_loop3A_294 = arith.mulf %parallel_loop3A_279, %parallel_loop3A_293 : vector<16xf32>
        %parallel_loop3A_295 = arith.addf %parallel_loop3A_269, %parallel_loop3A_294 : vector<16xf32>
        %parallel_loop3A_296 = arith.minimumf %parallel_loop3A_287, %parallel_loop3A_245 : vector<16xf32>
        %parallel_loop3A_297 = arith.maximumf %parallel_loop3A_283, %parallel_loop3A_241 : vector<16xf32>
        %parallel_loop3A_298 = arith.subf %parallel_loop3A_296, %parallel_loop3A_297 : vector<16xf32>
        %parallel_loop3A_299 = arith.constant 0.000000e+00 : f32
        %parallel_loop3A_300 = vector.broadcast %parallel_loop3A_299 : f32 to vector<16xf32>
        %parallel_loop3A_301 = arith.maximumf %parallel_loop3A_298, %parallel_loop3A_300 : vector<16xf32>
        %parallel_loop3A_302 = arith.minimumf %parallel_loop3A_295, %parallel_loop3A_253 : vector<16xf32>
        %parallel_loop3A_303 = arith.maximumf %parallel_loop3A_291, %parallel_loop3A_249 : vector<16xf32>
        %parallel_loop3A_304 = arith.subf %parallel_loop3A_302, %parallel_loop3A_303 : vector<16xf32>
        %parallel_loop3A_305 = arith.constant 0.000000e+00 : f32
        %parallel_loop3A_306 = vector.broadcast %parallel_loop3A_305 : f32 to vector<16xf32>
        %parallel_loop3A_307 = arith.maximumf %parallel_loop3A_304, %parallel_loop3A_306 : vector<16xf32>
        %parallel_loop3A_308 = arith.mulf %parallel_loop3A_301, %parallel_loop3A_307 : vector<16xf32>
        %parallel_loop3A_309 = arith.mulf %parallel_loop3A_274, %parallel_loop3A_279 : vector<16xf32>
        %parallel_loop3A_310 = arith.addf %parallel_loop3A_309, %parallel_loop3A_254 : vector<16xf32>
        %parallel_loop3A_311 = arith.subf %parallel_loop3A_310, %parallel_loop3A_308 : vector<16xf32>
        %parallel_loop3A_312 = arith.mulf %parallel_loop3A_308, %parallel_loop3A_259 : vector<16xf32>
        %parallel_loop3A_313 = arith.constant 9.99999971E-10 : f32
        %parallel_loop3A_314 = vector.broadcast %parallel_loop3A_313 : f32 to vector<16xf32>
        %parallel_loop3A_315 = arith.addf %parallel_loop3A_311, %parallel_loop3A_314 : vector<16xf32>
        %parallel_loop3A_316 = arith.constant 5 : i32
        %parallel_loop3A_317 = arith.index_cast %rem3A_144 : i32 to index
        %parallel_loop3A_318 = arith.index_cast %parallel_loop3A_316 : i32 to index
        %parallel_loop3A_319 = arith.index_cast %parallel_loop3A_209 : i32 to index
        %parallel_loop3A_320 = tpu.vector_load %arg5[%parallel_loop3A_317, %parallel_loop3A_318, %parallel_loop3A_319] {strides = array<i32>} : memref<4x30x512xf32, #tpu.memory_space<vmem>>, vector<16xf32>,
        %parallel_loop3A_321 = arith.constant 6 : i32
        %parallel_loop3A_322 = arith.index_cast %rem3A_144 : i32 to index
        %parallel_loop3A_323 = arith.index_cast %parallel_loop3A_321 : i32 to index
        %parallel_loop3A_324 = arith.index_cast %parallel_loop3A_209 : i32 to index
        %parallel_loop3A_325 = tpu.vector_load %arg5[%parallel_loop3A_322, %parallel_loop3A_323, %parallel_loop3A_324] {strides = array<i32>} : memref<4x30x512xf32, #tpu.memory_space<vmem>>, vector<16xf32>,
        %parallel_loop3A_326 = arith.constant 7 : i32
        %parallel_loop3A_327 = arith.index_cast %rem3A_144 : i32 to index
        %parallel_loop3A_328 = arith.index_cast %parallel_loop3A_326 : i32 to index
        %parallel_loop3A_329 = arith.index_cast %parallel_loop3A_209 : i32 to index
        %parallel_loop3A_330 = tpu.vector_load %arg5[%parallel_loop3A_327, %parallel_loop3A_328, %parallel_loop3A_329] {strides = array<i32>} : memref<4x30x512xf32, #tpu.memory_space<vmem>>, vector<16xf32>,
        %parallel_loop3A_331 = arith.constant 8 : i32
        %parallel_loop3A_332 = arith.index_cast %rem3A_144 : i32 to index
        %parallel_loop3A_333 = arith.index_cast %parallel_loop3A_331 : i32 to index
        %parallel_loop3A_334 = arith.index_cast %parallel_loop3A_209 : i32 to index
        %parallel_loop3A_335 = tpu.vector_load %arg5[%parallel_loop3A_332, %parallel_loop3A_333, %parallel_loop3A_334] {strides = array<i32>} : memref<4x30x512xf32, #tpu.memory_space<vmem>>, vector<16xf32>,
        %parallel_loop3A_336 = arith.constant 9 : i32
        %parallel_loop3A_337 = arith.index_cast %rem3A_144 : i32 to index
        %parallel_loop3A_338 = arith.index_cast %parallel_loop3A_336 : i32 to index
        %parallel_loop3A_339 = arith.index_cast %parallel_loop3A_209 : i32 to index
        %parallel_loop3A_340 = tpu.vector_load %arg5[%parallel_loop3A_337, %parallel_loop3A_338, %parallel_loop3A_339] {strides = array<i32>} : memref<4x30x512xf32, #tpu.memory_space<vmem>>, vector<16xf32>,
        %parallel_loop3A_341 = arith.constant 5.000000e-01 : f32
        %parallel_loop3A_342 = vector.broadcast %parallel_loop3A_341 : f32 to vector<16xf32>
        %parallel_loop3A_343 = arith.mulf %parallel_loop3A_335, %parallel_loop3A_342 : vector<16xf32>
        %parallel_loop3A_344 = arith.subf %parallel_loop3A_325, %parallel_loop3A_343 : vector<16xf32>
        %parallel_loop3A_345 = arith.constant 5.000000e-01 : f32
        %parallel_loop3A_346 = vector.broadcast %parallel_loop3A_345 : f32 to vector<16xf32>
        %parallel_loop3A_347 = arith.mulf %parallel_loop3A_335, %parallel_loop3A_346 : vector<16xf32>
        %parallel_loop3A_348 = arith.addf %parallel_loop3A_325, %parallel_loop3A_347 : vector<16xf32>
        %parallel_loop3A_349 = arith.constant 5.000000e-01 : f32
        %parallel_loop3A_350 = vector.broadcast %parallel_loop3A_349 : f32 to vector<16xf32>
        %parallel_loop3A_351 = arith.mulf %parallel_loop3A_340, %parallel_loop3A_350 : vector<16xf32>
        %parallel_loop3A_352 = arith.subf %parallel_loop3A_330, %parallel_loop3A_351 : vector<16xf32>
        %parallel_loop3A_353 = arith.constant 5.000000e-01 : f32
        %parallel_loop3A_354 = vector.broadcast %parallel_loop3A_353 : f32 to vector<16xf32>
        %parallel_loop3A_355 = arith.mulf %parallel_loop3A_340, %parallel_loop3A_354 : vector<16xf32>
        %parallel_loop3A_356 = arith.addf %parallel_loop3A_330, %parallel_loop3A_355 : vector<16xf32>
        %parallel_loop3A_357 = arith.minimumf %parallel_loop3A_348, %parallel_loop3A_245 : vector<16xf32>
        %parallel_loop3A_358 = arith.maximumf %parallel_loop3A_344, %parallel_loop3A_241 : vector<16xf32>
        %parallel_loop3A_359 = arith.subf %parallel_loop3A_357, %parallel_loop3A_358 : vector<16xf32>
        %parallel_loop3A_360 = arith.constant 0.000000e+00 : f32
        %parallel_loop3A_361 = vector.broadcast %parallel_loop3A_360 : f32 to vector<16xf32>
        %parallel_loop3A_362 = arith.maximumf %parallel_loop3A_359, %parallel_loop3A_361 : vector<16xf32>
        %parallel_loop3A_363 = arith.minimumf %parallel_loop3A_356, %parallel_loop3A_253 : vector<16xf32>
        %parallel_loop3A_364 = arith.maximumf %parallel_loop3A_352, %parallel_loop3A_249 : vector<16xf32>
        %parallel_loop3A_365 = arith.subf %parallel_loop3A_363, %parallel_loop3A_364 : vector<16xf32>
        %parallel_loop3A_366 = arith.constant 0.000000e+00 : f32
        %parallel_loop3A_367 = vector.broadcast %parallel_loop3A_366 : f32 to vector<16xf32>
        %parallel_loop3A_368 = arith.maximumf %parallel_loop3A_365, %parallel_loop3A_367 : vector<16xf32>
        %parallel_loop3A_369 = arith.mulf %parallel_loop3A_362, %parallel_loop3A_368 : vector<16xf32>
        %parallel_loop3A_370 = arith.mulf %parallel_loop3A_335, %parallel_loop3A_340 : vector<16xf32>
        %parallel_loop3A_371 = arith.addf %parallel_loop3A_370, %parallel_loop3A_254 : vector<16xf32>
        %parallel_loop3A_372 = arith.subf %parallel_loop3A_371, %parallel_loop3A_369 : vector<16xf32>
        %parallel_loop3A_373 = arith.mulf %parallel_loop3A_369, %parallel_loop3A_320 : vector<16xf32>
        %parallel_loop3A_374 = arith.constant 9.99999971E-10 : f32
        %parallel_loop3A_375 = vector.broadcast %parallel_loop3A_374 : f32 to vector<16xf32>
        %parallel_loop3A_376 = arith.addf %parallel_loop3A_372, %parallel_loop3A_375 : vector<16xf32>
        %parallel_loop3A_377 = arith.mulf %parallel_loop3A_373, %parallel_loop3A_315 : vector<16xf32>
        %parallel_loop3A_378 = arith.mulf %parallel_loop3A_312, %parallel_loop3A_376 : vector<16xf32>
        %parallel_loop3A_379 = arith.cmpf ogt, %parallel_loop3A_377, %parallel_loop3A_378 : vector<16xf32>
        %parallel_loop3A_380 = arith.select %parallel_loop3A_379, %parallel_loop3A_320, %parallel_loop3A_259 : vector<16xi1>, vector<16xf32>
        %parallel_loop3A_381 = arith.select %parallel_loop3A_379, %parallel_loop3A_325, %parallel_loop3A_264 : vector<16xi1>, vector<16xf32>
        %parallel_loop3A_382 = arith.select %parallel_loop3A_379, %parallel_loop3A_330, %parallel_loop3A_269 : vector<16xi1>, vector<16xf32>
        %parallel_loop3A_383 = arith.select %parallel_loop3A_379, %parallel_loop3A_335, %parallel_loop3A_274 : vector<16xi1>, vector<16xf32>
        %parallel_loop3A_384 = arith.select %parallel_loop3A_379, %parallel_loop3A_340, %parallel_loop3A_279 : vector<16xi1>, vector<16xf32>
        %parallel_loop3A_385 = arith.constant 1.000000e+00 : f32
        %parallel_loop3A_386 = vector.broadcast %parallel_loop3A_385 : f32 to vector<16xf32>
        %parallel_loop3A_387 = arith.subf %parallel_loop3A_386, %parallel_loop3A_380 : vector<16xf32>
        %parallel_loop3A_388 = arith.mulf %parallel_loop3A_387, %parallel_loop3A_387 : vector<16xf32>
        %parallel_loop3A_389 = arith.select %parallel_loop3A_237, %parallel_loop3A_388, %broadcast_in_dim3A_3 : vector<16xi1>, vector<16xf32>
        %parallel_loop3A_390 = arith.addf %parallel_loop3A_204, %parallel_loop3A_389 : vector<16xf32>
        %parallel_loop3A_391 = arith.subf %parallel_loop3A_381, %parallel_loop3A_214 : vector<16xf32>
        %parallel_loop3A_392 = arith.subf %parallel_loop3A_382, %parallel_loop3A_219 : vector<16xf32>
        %parallel_loop3A_393 = tpu.bitcast %parallel_loop3A_383 : vector<16xf32> -> vector<16xi32>
        %parallel_loop3A_394 = arith.constant 1 : i32
        %parallel_loop3A_395 = vector.broadcast %parallel_loop3A_394 : i32 to vector<16xi32>
        %parallel_loop3A_396 = arith.shrui %parallel_loop3A_393, %parallel_loop3A_395 : vector<16xi32>
        %parallel_loop3A_397 = arith.constant 1597463007 : i32
        %parallel_loop3A_398 = vector.broadcast %parallel_loop3A_397 : i32 to vector<16xi32>
        %parallel_loop3A_399 = arith.subi %parallel_loop3A_398, %parallel_loop3A_396 : vector<16xi32>
        %parallel_loop3A_400 = tpu.bitcast %parallel_loop3A_399 : vector<16xi32> -> vector<16xf32>
        %parallel_loop3A_401 = arith.constant 5.000000e-01 : f32
        %parallel_loop3A_402 = vector.broadcast %parallel_loop3A_401 : f32 to vector<16xf32>
        %parallel_loop3A_403 = arith.mulf %parallel_loop3A_402, %parallel_loop3A_383 : vector<16xf32>
        %parallel_loop3A_404 = arith.mulf %parallel_loop3A_403, %parallel_loop3A_400 : vector<16xf32>
        %parallel_loop3A_405 = arith.mulf %parallel_loop3A_404, %parallel_loop3A_400 : vector<16xf32>
        %parallel_loop3A_406 = arith.constant 1.500000e+00 : f32
        %parallel_loop3A_407 = vector.broadcast %parallel_loop3A_406 : f32 to vector<16xf32>
        %parallel_loop3A_408 = arith.subf %parallel_loop3A_407, %parallel_loop3A_405 : vector<16xf32>
        %parallel_loop3A_409 = arith.mulf %parallel_loop3A_400, %parallel_loop3A_408 : vector<16xf32>
        %parallel_loop3A_410 = arith.mulf %parallel_loop3A_403, %parallel_loop3A_409 : vector<16xf32>
        %parallel_loop3A_411 = arith.mulf %parallel_loop3A_410, %parallel_loop3A_409 : vector<16xf32>
        %parallel_loop3A_412 = arith.constant 1.500000e+00 : f32
        %parallel_loop3A_413 = vector.broadcast %parallel_loop3A_412 : f32 to vector<16xf32>
        %parallel_loop3A_414 = arith.subf %parallel_loop3A_413, %parallel_loop3A_411 : vector<16xf32>
        %parallel_loop3A_415 = arith.mulf %parallel_loop3A_409, %parallel_loop3A_414 : vector<16xf32>
        %parallel_loop3A_416 = arith.mulf %parallel_loop3A_403, %parallel_loop3A_415 : vector<16xf32>
        %parallel_loop3A_417 = arith.mulf %parallel_loop3A_416, %parallel_loop3A_415 : vector<16xf32>
        %parallel_loop3A_418 = arith.constant 1.500000e+00 : f32
        %parallel_loop3A_419 = vector.broadcast %parallel_loop3A_418 : f32 to vector<16xf32>
        %parallel_loop3A_420 = arith.subf %parallel_loop3A_419, %parallel_loop3A_417 : vector<16xf32>
        %parallel_loop3A_421 = arith.mulf %parallel_loop3A_415, %parallel_loop3A_420 : vector<16xf32>
        %parallel_loop3A_422 = arith.mulf %parallel_loop3A_383, %parallel_loop3A_421 : vector<16xf32>
        %parallel_loop3A_423 = tpu.bitcast %parallel_loop3A_224 : vector<16xf32> -> vector<16xi32>
        %parallel_loop3A_424 = arith.constant 1 : i32
        %parallel_loop3A_425 = vector.broadcast %parallel_loop3A_424 : i32 to vector<16xi32>
        %parallel_loop3A_426 = arith.shrui %parallel_loop3A_423, %parallel_loop3A_425 : vector<16xi32>
        %parallel_loop3A_427 = arith.constant 1597463007 : i32
        %parallel_loop3A_428 = vector.broadcast %parallel_loop3A_427 : i32 to vector<16xi32>
        %parallel_loop3A_429 = arith.subi %parallel_loop3A_428, %parallel_loop3A_426 : vector<16xi32>
        %parallel_loop3A_430 = tpu.bitcast %parallel_loop3A_429 : vector<16xi32> -> vector<16xf32>
        %parallel_loop3A_431 = arith.constant 5.000000e-01 : f32
        %parallel_loop3A_432 = vector.broadcast %parallel_loop3A_431 : f32 to vector<16xf32>
        %parallel_loop3A_433 = arith.mulf %parallel_loop3A_432, %parallel_loop3A_224 : vector<16xf32>
        %parallel_loop3A_434 = arith.mulf %parallel_loop3A_433, %parallel_loop3A_430 : vector<16xf32>
        %parallel_loop3A_435 = arith.mulf %parallel_loop3A_434, %parallel_loop3A_430 : vector<16xf32>
        %parallel_loop3A_436 = arith.constant 1.500000e+00 : f32
        %parallel_loop3A_437 = vector.broadcast %parallel_loop3A_436 : f32 to vector<16xf32>
        %parallel_loop3A_438 = arith.subf %parallel_loop3A_437, %parallel_loop3A_435 : vector<16xf32>
        %parallel_loop3A_439 = arith.mulf %parallel_loop3A_430, %parallel_loop3A_438 : vector<16xf32>
        %parallel_loop3A_440 = arith.mulf %parallel_loop3A_433, %parallel_loop3A_439 : vector<16xf32>
        %parallel_loop3A_441 = arith.mulf %parallel_loop3A_440, %parallel_loop3A_439 : vector<16xf32>
        %parallel_loop3A_442 = arith.constant 1.500000e+00 : f32
        %parallel_loop3A_443 = vector.broadcast %parallel_loop3A_442 : f32 to vector<16xf32>
        %parallel_loop3A_444 = arith.subf %parallel_loop3A_443, %parallel_loop3A_441 : vector<16xf32>
        %parallel_loop3A_445 = arith.mulf %parallel_loop3A_439, %parallel_loop3A_444 : vector<16xf32>
        %parallel_loop3A_446 = arith.mulf %parallel_loop3A_433, %parallel_loop3A_445 : vector<16xf32>
        %parallel_loop3A_447 = arith.mulf %parallel_loop3A_446, %parallel_loop3A_445 : vector<16xf32>
        %parallel_loop3A_448 = arith.constant 1.500000e+00 : f32
        %parallel_loop3A_449 = vector.broadcast %parallel_loop3A_448 : f32 to vector<16xf32>
        %parallel_loop3A_450 = arith.subf %parallel_loop3A_449, %parallel_loop3A_447 : vector<16xf32>
        %parallel_loop3A_451 = arith.mulf %parallel_loop3A_445, %parallel_loop3A_450 : vector<16xf32>
        %parallel_loop3A_452 = arith.mulf %parallel_loop3A_224, %parallel_loop3A_451 : vector<16xf32>
        %parallel_loop3A_453 = arith.subf %parallel_loop3A_422, %parallel_loop3A_452 : vector<16xf32>
        %parallel_loop3A_454 = tpu.bitcast %parallel_loop3A_384 : vector<16xf32> -> vector<16xi32>
        %parallel_loop3A_455 = arith.constant 1 : i32
        %parallel_loop3A_456 = vector.broadcast %parallel_loop3A_455 : i32 to vector<16xi32>
        %parallel_loop3A_457 = arith.shrui %parallel_loop3A_454, %parallel_loop3A_456 : vector<16xi32>
        %parallel_loop3A_458 = arith.constant 1597463007 : i32
        %parallel_loop3A_459 = vector.broadcast %parallel_loop3A_458 : i32 to vector<16xi32>
        %parallel_loop3A_460 = arith.subi %parallel_loop3A_459, %parallel_loop3A_457 : vector<16xi32>
        %parallel_loop3A_461 = tpu.bitcast %parallel_loop3A_460 : vector<16xi32> -> vector<16xf32>
        %parallel_loop3A_462 = arith.constant 5.000000e-01 : f32
        %parallel_loop3A_463 = vector.broadcast %parallel_loop3A_462 : f32 to vector<16xf32>
        %parallel_loop3A_464 = arith.mulf %parallel_loop3A_463, %parallel_loop3A_384 : vector<16xf32>
        %parallel_loop3A_465 = arith.mulf %parallel_loop3A_464, %parallel_loop3A_461 : vector<16xf32>
        %parallel_loop3A_466 = arith.mulf %parallel_loop3A_465, %parallel_loop3A_461 : vector<16xf32>
        %parallel_loop3A_467 = arith.constant 1.500000e+00 : f32
        %parallel_loop3A_468 = vector.broadcast %parallel_loop3A_467 : f32 to vector<16xf32>
        %parallel_loop3A_469 = arith.subf %parallel_loop3A_468, %parallel_loop3A_466 : vector<16xf32>
        %parallel_loop3A_470 = arith.mulf %parallel_loop3A_461, %parallel_loop3A_469 : vector<16xf32>
        %parallel_loop3A_471 = arith.mulf %parallel_loop3A_464, %parallel_loop3A_470 : vector<16xf32>
        %parallel_loop3A_472 = arith.mulf %parallel_loop3A_471, %parallel_loop3A_470 : vector<16xf32>
        %parallel_loop3A_473 = arith.constant 1.500000e+00 : f32
        %parallel_loop3A_474 = vector.broadcast %parallel_loop3A_473 : f32 to vector<16xf32>
        %parallel_loop3A_475 = arith.subf %parallel_loop3A_474, %parallel_loop3A_472 : vector<16xf32>
        %parallel_loop3A_476 = arith.mulf %parallel_loop3A_470, %parallel_loop3A_475 : vector<16xf32>
        %parallel_loop3A_477 = arith.mulf %parallel_loop3A_464, %parallel_loop3A_476 : vector<16xf32>
        %parallel_loop3A_478 = arith.mulf %parallel_loop3A_477, %parallel_loop3A_476 : vector<16xf32>
        %parallel_loop3A_479 = arith.constant 1.500000e+00 : f32
        %parallel_loop3A_480 = vector.broadcast %parallel_loop3A_479 : f32 to vector<16xf32>
        %parallel_loop3A_481 = arith.subf %parallel_loop3A_480, %parallel_loop3A_478 : vector<16xf32>
        %parallel_loop3A_482 = arith.mulf %parallel_loop3A_476, %parallel_loop3A_481 : vector<16xf32>
        %parallel_loop3A_483 = arith.mulf %parallel_loop3A_384, %parallel_loop3A_482 : vector<16xf32>
        %parallel_loop3A_484 = tpu.bitcast %parallel_loop3A_229 : vector<16xf32> -> vector<16xi32>
        %parallel_loop3A_485 = arith.constant 1 : i32
        %parallel_loop3A_486 = vector.broadcast %parallel_loop3A_485 : i32 to vector<16xi32>
        %parallel_loop3A_487 = arith.shrui %parallel_loop3A_484, %parallel_loop3A_486 : vector<16xi32>
        %parallel_loop3A_488 = arith.constant 1597463007 : i32
        %parallel_loop3A_489 = vector.broadcast %parallel_loop3A_488 : i32 to vector<16xi32>
        %parallel_loop3A_490 = arith.subi %parallel_loop3A_489, %parallel_loop3A_487 : vector<16xi32>
        %parallel_loop3A_491 = tpu.bitcast %parallel_loop3A_490 : vector<16xi32> -> vector<16xf32>
        %parallel_loop3A_492 = arith.constant 5.000000e-01 : f32
        %parallel_loop3A_493 = vector.broadcast %parallel_loop3A_492 : f32 to vector<16xf32>
        %parallel_loop3A_494 = arith.mulf %parallel_loop3A_493, %parallel_loop3A_229 : vector<16xf32>
        %parallel_loop3A_495 = arith.mulf %parallel_loop3A_494, %parallel_loop3A_491 : vector<16xf32>
        %parallel_loop3A_496 = arith.mulf %parallel_loop3A_495, %parallel_loop3A_491 : vector<16xf32>
        %parallel_loop3A_497 = arith.constant 1.500000e+00 : f32
        %parallel_loop3A_498 = vector.broadcast %parallel_loop3A_497 : f32 to vector<16xf32>
        %parallel_loop3A_499 = arith.subf %parallel_loop3A_498, %parallel_loop3A_496 : vector<16xf32>
        %parallel_loop3A_500 = arith.mulf %parallel_loop3A_491, %parallel_loop3A_499 : vector<16xf32>
        %parallel_loop3A_501 = arith.mulf %parallel_loop3A_494, %parallel_loop3A_500 : vector<16xf32>
        %parallel_loop3A_502 = arith.mulf %parallel_loop3A_501, %parallel_loop3A_500 : vector<16xf32>
        %parallel_loop3A_503 = arith.constant 1.500000e+00 : f32
        %parallel_loop3A_504 = vector.broadcast %parallel_loop3A_503 : f32 to vector<16xf32>
        %parallel_loop3A_505 = arith.subf %parallel_loop3A_504, %parallel_loop3A_502 : vector<16xf32>
        %parallel_loop3A_506 = arith.mulf %parallel_loop3A_500, %parallel_loop3A_505 : vector<16xf32>
        %parallel_loop3A_507 = arith.mulf %parallel_loop3A_494, %parallel_loop3A_506 : vector<16xf32>
        %parallel_loop3A_508 = arith.mulf %parallel_loop3A_507, %parallel_loop3A_506 : vector<16xf32>
        %parallel_loop3A_509 = arith.constant 1.500000e+00 : f32
        %parallel_loop3A_510 = vector.broadcast %parallel_loop3A_509 : f32 to vector<16xf32>
        %parallel_loop3A_511 = arith.subf %parallel_loop3A_510, %parallel_loop3A_508 : vector<16xf32>
        %parallel_loop3A_512 = arith.mulf %parallel_loop3A_506, %parallel_loop3A_511 : vector<16xf32>
        %parallel_loop3A_513 = arith.mulf %parallel_loop3A_229, %parallel_loop3A_512 : vector<16xf32>
        %parallel_loop3A_514 = arith.subf %parallel_loop3A_483, %parallel_loop3A_513 : vector<16xf32>
        %parallel_loop3A_515 = arith.mulf %parallel_loop3A_391, %parallel_loop3A_391 : vector<16xf32>
        %parallel_loop3A_516 = arith.mulf %parallel_loop3A_392, %parallel_loop3A_392 : vector<16xf32>
        %parallel_loop3A_517 = arith.addf %parallel_loop3A_515, %parallel_loop3A_516 : vector<16xf32>
        %parallel_loop3A_518 = arith.mulf %parallel_loop3A_453, %parallel_loop3A_453 : vector<16xf32>
        %parallel_loop3A_519 = arith.addf %parallel_loop3A_517, %parallel_loop3A_518 : vector<16xf32>
        %parallel_loop3A_520 = arith.mulf %parallel_loop3A_514, %parallel_loop3A_514 : vector<16xf32>
        %parallel_loop3A_521 = arith.addf %parallel_loop3A_519, %parallel_loop3A_520 : vector<16xf32>
        %parallel_loop3A_522 = arith.select %parallel_loop3A_237, %parallel_loop3A_521, %broadcast_in_dim3A_3 : vector<16xi1>, vector<16xf32>
        %parallel_loop3A_523 = arith.addf %parallel_loop3A_205, %parallel_loop3A_522 : vector<16xf32>
        %parallel_loop3A_524 = arith.mulf %parallel_loop3A_259, %parallel_loop3A_259 : vector<16xf32>
        %parallel_loop3A_525 = arith.mulf %parallel_loop3A_320, %parallel_loop3A_320 : vector<16xf32>
        %parallel_loop3A_526 = arith.addf %parallel_loop3A_524, %parallel_loop3A_525 : vector<16xf32>
        %parallel_loop3A_527 = arith.select %parallel_loop3A_237, %broadcast_in_dim3A_3, %parallel_loop3A_526 : vector<16xi1>, vector<16xf32>
        %parallel_loop3A_528 = arith.addf %parallel_loop3A_207, %parallel_loop3A_527 : vector<16xf32>
        %parallel_loop3A_529 = arith.constant 10 : i32
        %parallel_loop3A_530 = arith.index_cast %rem3A_144 : i32 to index
        %parallel_loop3A_531 = arith.index_cast %parallel_loop3A_529 : i32 to index
        %parallel_loop3A_532 = arith.index_cast %parallel_loop3A_209 : i32 to index
        %parallel_loop3A_533 = tpu.vector_load %arg5[%parallel_loop3A_530, %parallel_loop3A_531, %parallel_loop3A_532] {strides = array<i32>} : memref<4x30x512xf32, #tpu.memory_space<vmem>>, vector<16xf32>,
        %parallel_loop3A_534 = arith.mulf %parallel_loop3A_533, %parallel_loop3A_533 : vector<16xf32>
        %parallel_loop3A_535 = arith.addf %broadcast_in_dim3A_3, %parallel_loop3A_534 : vector<16xf32>
        %parallel_loop3A_536 = arith.constant 11 : i32
        %parallel_loop3A_537 = arith.index_cast %rem3A_144 : i32 to index
        %parallel_loop3A_538 = arith.index_cast %parallel_loop3A_536 : i32 to index
        %parallel_loop3A_539 = arith.index_cast %parallel_loop3A_209 : i32 to index
        %parallel_loop3A_540 = tpu.vector_load %arg5[%parallel_loop3A_537, %parallel_loop3A_538, %parallel_loop3A_539] {strides = array<i32>} : memref<4x30x512xf32, #tpu.memory_space<vmem>>, vector<16xf32>,
        %parallel_loop3A_541 = arith.mulf %parallel_loop3A_540, %parallel_loop3A_540 : vector<16xf32>
        %parallel_loop3A_542 = arith.addf %broadcast_in_dim3A_3, %parallel_loop3A_541 : vector<16xf32>
        %parallel_loop3A_543 = arith.constant 12 : i32
        %parallel_loop3A_544 = arith.index_cast %rem3A_144 : i32 to index
        %parallel_loop3A_545 = arith.index_cast %parallel_loop3A_543 : i32 to index
        %parallel_loop3A_546 = arith.index_cast %parallel_loop3A_209 : i32 to index
        %parallel_loop3A_547 = tpu.vector_load %arg5[%parallel_loop3A_544, %parallel_loop3A_545, %parallel_loop3A_546] {strides = array<i32>} : memref<4x30x512xf32, #tpu.memory_space<vmem>>, vector<16xf32>,
        %parallel_loop3A_548 = arith.mulf %parallel_loop3A_547, %parallel_loop3A_547 : vector<16xf32>
        %parallel_loop3A_549 = arith.addf %broadcast_in_dim3A_3, %parallel_loop3A_548 : vector<16xf32>
        %parallel_loop3A_550 = arith.constant 13 : i32
        %parallel_loop3A_551 = arith.index_cast %rem3A_144 : i32 to index
        %parallel_loop3A_552 = arith.index_cast %parallel_loop3A_550 : i32 to index
        %parallel_loop3A_553 = arith.index_cast %parallel_loop3A_209 : i32 to index
        %parallel_loop3A_554 = tpu.vector_load %arg5[%parallel_loop3A_551, %parallel_loop3A_552, %parallel_loop3A_553] {strides = array<i32>} : memref<4x30x512xf32, #tpu.memory_space<vmem>>, vector<16xf32>,
        %parallel_loop3A_555 = arith.mulf %parallel_loop3A_554, %parallel_loop3A_554 : vector<16xf32>
        %parallel_loop3A_556 = arith.addf %broadcast_in_dim3A_3, %parallel_loop3A_555 : vector<16xf32>
        %parallel_loop3A_557 = arith.constant 14 : i32
        %parallel_loop3A_558 = arith.index_cast %rem3A_144 : i32 to index
        %parallel_loop3A_559 = arith.index_cast %parallel_loop3A_557 : i32 to index
        %parallel_loop3A_560 = arith.index_cast %parallel_loop3A_209 : i32 to index
        %parallel_loop3A_561 = tpu.vector_load %arg5[%parallel_loop3A_558, %parallel_loop3A_559, %parallel_loop3A_560] {strides = array<i32>} : memref<4x30x512xf32, #tpu.memory_space<vmem>>, vector<16xf32>,
        %parallel_loop3A_562 = arith.mulf %parallel_loop3A_561, %parallel_loop3A_561 : vector<16xf32>
        %parallel_loop3A_563 = arith.addf %parallel_loop3A_535, %parallel_loop3A_562 : vector<16xf32>
        %parallel_loop3A_564 = arith.constant 15 : i32
        %parallel_loop3A_565 = arith.index_cast %rem3A_144 : i32 to index
        %parallel_loop3A_566 = arith.index_cast %parallel_loop3A_564 : i32 to index
        %parallel_loop3A_567 = arith.index_cast %parallel_loop3A_209 : i32 to index
        %parallel_loop3A_568 = tpu.vector_load %arg5[%parallel_loop3A_565, %parallel_loop3A_566, %parallel_loop3A_567] {strides = array<i32>} : memref<4x30x512xf32, #tpu.memory_space<vmem>>, vector<16xf32>,
        %parallel_loop3A_569 = arith.mulf %parallel_loop3A_568, %parallel_loop3A_568 : vector<16xf32>
        %parallel_loop3A_570 = arith.addf %parallel_loop3A_542, %parallel_loop3A_569 : vector<16xf32>
        %parallel_loop3A_571 = arith.constant 16 : i32
        %parallel_loop3A_572 = arith.index_cast %rem3A_144 : i32 to index
        %parallel_loop3A_573 = arith.index_cast %parallel_loop3A_571 : i32 to index
        %parallel_loop3A_574 = arith.index_cast %parallel_loop3A_209 : i32 to index
        %parallel_loop3A_575 = tpu.vector_load %arg5[%parallel_loop3A_572, %parallel_loop3A_573, %parallel_loop3A_574] {strides = array<i32>} : memref<4x30x512xf32, #tpu.memory_space<vmem>>, vector<16xf32>,
        %parallel_loop3A_576 = arith.mulf %parallel_loop3A_575, %parallel_loop3A_575 : vector<16xf32>
        %parallel_loop3A_577 = arith.addf %parallel_loop3A_549, %parallel_loop3A_576 : vector<16xf32>
        %parallel_loop3A_578 = arith.constant 17 : i32
        %parallel_loop3A_579 = arith.index_cast %rem3A_144 : i32 to index
        %parallel_loop3A_580 = arith.index_cast %parallel_loop3A_578 : i32 to index
        %parallel_loop3A_581 = arith.index_cast %parallel_loop3A_209 : i32 to index
        %parallel_loop3A_582 = tpu.vector_load %arg5[%parallel_loop3A_579, %parallel_loop3A_580, %parallel_loop3A_581] {strides = array<i32>} : memref<4x30x512xf32, #tpu.memory_space<vmem>>, vector<16xf32>,
        %parallel_loop3A_583 = arith.mulf %parallel_loop3A_582, %parallel_loop3A_582 : vector<16xf32>
        %parallel_loop3A_584 = arith.addf %parallel_loop3A_556, %parallel_loop3A_583 : vector<16xf32>
        %parallel_loop3A_585 = arith.constant 18 : i32
        %parallel_loop3A_586 = arith.index_cast %rem3A_144 : i32 to index
        %parallel_loop3A_587 = arith.index_cast %parallel_loop3A_585 : i32 to index
        %parallel_loop3A_588 = arith.index_cast %parallel_loop3A_209 : i32 to index
        %parallel_loop3A_589 = tpu.vector_load %arg5[%parallel_loop3A_586, %parallel_loop3A_587, %parallel_loop3A_588] {strides = array<i32>} : memref<4x30x512xf32, #tpu.memory_space<vmem>>, vector<16xf32>,
        %parallel_loop3A_590 = arith.mulf %parallel_loop3A_589, %parallel_loop3A_589 : vector<16xf32>
        %parallel_loop3A_591 = arith.addf %parallel_loop3A_563, %parallel_loop3A_590 : vector<16xf32>
        %parallel_loop3A_592 = arith.constant 19 : i32
        %parallel_loop3A_593 = arith.index_cast %rem3A_144 : i32 to index
        %parallel_loop3A_594 = arith.index_cast %parallel_loop3A_592 : i32 to index
        %parallel_loop3A_595 = arith.index_cast %parallel_loop3A_209 : i32 to index
        %parallel_loop3A_596 = tpu.vector_load %arg5[%parallel_loop3A_593, %parallel_loop3A_594, %parallel_loop3A_595] {strides = array<i32>} : memref<4x30x512xf32, #tpu.memory_space<vmem>>, vector<16xf32>,
        %parallel_loop3A_597 = arith.mulf %parallel_loop3A_596, %parallel_loop3A_596 : vector<16xf32>
        %parallel_loop3A_598 = arith.addf %parallel_loop3A_570, %parallel_loop3A_597 : vector<16xf32>
        %parallel_loop3A_599 = arith.constant 20 : i32
        %parallel_loop3A_600 = arith.index_cast %rem3A_144 : i32 to index
        %parallel_loop3A_601 = arith.index_cast %parallel_loop3A_599 : i32 to index
        %parallel_loop3A_602 = arith.index_cast %parallel_loop3A_209 : i32 to index
        %parallel_loop3A_603 = tpu.vector_load %arg5[%parallel_loop3A_600, %parallel_loop3A_601, %parallel_loop3A_602] {strides = array<i32>} : memref<4x30x512xf32, #tpu.memory_space<vmem>>, vector<16xf32>,
        %parallel_loop3A_604 = arith.mulf %parallel_loop3A_603, %parallel_loop3A_603 : vector<16xf32>
        %parallel_loop3A_605 = arith.addf %parallel_loop3A_577, %parallel_loop3A_604 : vector<16xf32>
        %parallel_loop3A_606 = arith.constant 21 : i32
        %parallel_loop3A_607 = arith.index_cast %rem3A_144 : i32 to index
        %parallel_loop3A_608 = arith.index_cast %parallel_loop3A_606 : i32 to index
        %parallel_loop3A_609 = arith.index_cast %parallel_loop3A_209 : i32 to index
        %parallel_loop3A_610 = tpu.vector_load %arg5[%parallel_loop3A_607, %parallel_loop3A_608, %parallel_loop3A_609] {strides = array<i32>} : memref<4x30x512xf32, #tpu.memory_space<vmem>>, vector<16xf32>,
        %parallel_loop3A_611 = arith.mulf %parallel_loop3A_610, %parallel_loop3A_610 : vector<16xf32>
        %parallel_loop3A_612 = arith.addf %parallel_loop3A_584, %parallel_loop3A_611 : vector<16xf32>
        %parallel_loop3A_613 = arith.constant 22 : i32
        %parallel_loop3A_614 = arith.index_cast %rem3A_144 : i32 to index
        %parallel_loop3A_615 = arith.index_cast %parallel_loop3A_613 : i32 to index
        %parallel_loop3A_616 = arith.index_cast %parallel_loop3A_209 : i32 to index
        %parallel_loop3A_617 = tpu.vector_load %arg5[%parallel_loop3A_614, %parallel_loop3A_615, %parallel_loop3A_616] {strides = array<i32>} : memref<4x30x512xf32, #tpu.memory_space<vmem>>, vector<16xf32>,
        %parallel_loop3A_618 = arith.mulf %parallel_loop3A_617, %parallel_loop3A_617 : vector<16xf32>
        %parallel_loop3A_619 = arith.addf %parallel_loop3A_591, %parallel_loop3A_618 : vector<16xf32>
        %parallel_loop3A_620 = arith.constant 23 : i32
        %parallel_loop3A_621 = arith.index_cast %rem3A_144 : i32 to index
        %parallel_loop3A_622 = arith.index_cast %parallel_loop3A_620 : i32 to index
        %parallel_loop3A_623 = arith.index_cast %parallel_loop3A_209 : i32 to index
        %parallel_loop3A_624 = tpu.vector_load %arg5[%parallel_loop3A_621, %parallel_loop3A_622, %parallel_loop3A_623] {strides = array<i32>} : memref<4x30x512xf32, #tpu.memory_space<vmem>>, vector<16xf32>,
        %parallel_loop3A_625 = arith.mulf %parallel_loop3A_624, %parallel_loop3A_624 : vector<16xf32>
        %parallel_loop3A_626 = arith.addf %parallel_loop3A_598, %parallel_loop3A_625 : vector<16xf32>
        %parallel_loop3A_627 = arith.constant 24 : i32
        %parallel_loop3A_628 = arith.index_cast %rem3A_144 : i32 to index
        %parallel_loop3A_629 = arith.index_cast %parallel_loop3A_627 : i32 to index
        %parallel_loop3A_630 = arith.index_cast %parallel_loop3A_209 : i32 to index
        %parallel_loop3A_631 = tpu.vector_load %arg5[%parallel_loop3A_628, %parallel_loop3A_629, %parallel_loop3A_630] {strides = array<i32>} : memref<4x30x512xf32, #tpu.memory_space<vmem>>, vector<16xf32>,
        %parallel_loop3A_632 = arith.mulf %parallel_loop3A_631, %parallel_loop3A_631 : vector<16xf32>
        %parallel_loop3A_633 = arith.addf %parallel_loop3A_605, %parallel_loop3A_632 : vector<16xf32>
        %parallel_loop3A_634 = arith.constant 25 : i32
        %parallel_loop3A_635 = arith.index_cast %rem3A_144 : i32 to index
        %parallel_loop3A_636 = arith.index_cast %parallel_loop3A_634 : i32 to index
        %parallel_loop3A_637 = arith.index_cast %parallel_loop3A_209 : i32 to index
        %parallel_loop3A_638 = tpu.vector_load %arg5[%parallel_loop3A_635, %parallel_loop3A_636, %parallel_loop3A_637] {strides = array<i32>} : memref<4x30x512xf32, #tpu.memory_space<vmem>>, vector<16xf32>,
        %parallel_loop3A_639 = arith.mulf %parallel_loop3A_638, %parallel_loop3A_638 : vector<16xf32>
        %parallel_loop3A_640 = arith.addf %parallel_loop3A_612, %parallel_loop3A_639 : vector<16xf32>
        %parallel_loop3A_641 = arith.constant 26 : i32
        %parallel_loop3A_642 = arith.index_cast %rem3A_144 : i32 to index
        %parallel_loop3A_643 = arith.index_cast %parallel_loop3A_641 : i32 to index
        %parallel_loop3A_644 = arith.index_cast %parallel_loop3A_209 : i32 to index
        %parallel_loop3A_645 = tpu.vector_load %arg5[%parallel_loop3A_642, %parallel_loop3A_643, %parallel_loop3A_644] {strides = array<i32>} : memref<4x30x512xf32, #tpu.memory_space<vmem>>, vector<16xf32>,
        %parallel_loop3A_646 = arith.mulf %parallel_loop3A_645, %parallel_loop3A_645 : vector<16xf32>
        %parallel_loop3A_647 = arith.addf %parallel_loop3A_619, %parallel_loop3A_646 : vector<16xf32>
        %parallel_loop3A_648 = arith.constant 27 : i32
        %parallel_loop3A_649 = arith.index_cast %rem3A_144 : i32 to index
        %parallel_loop3A_650 = arith.index_cast %parallel_loop3A_648 : i32 to index
        %parallel_loop3A_651 = arith.index_cast %parallel_loop3A_209 : i32 to index
        %parallel_loop3A_652 = tpu.vector_load %arg5[%parallel_loop3A_649, %parallel_loop3A_650, %parallel_loop3A_651] {strides = array<i32>} : memref<4x30x512xf32, #tpu.memory_space<vmem>>, vector<16xf32>,
        %parallel_loop3A_653 = arith.mulf %parallel_loop3A_652, %parallel_loop3A_652 : vector<16xf32>
        %parallel_loop3A_654 = arith.addf %parallel_loop3A_626, %parallel_loop3A_653 : vector<16xf32>
        %parallel_loop3A_655 = arith.constant 28 : i32
        %parallel_loop3A_656 = arith.index_cast %rem3A_144 : i32 to index
        %parallel_loop3A_657 = arith.index_cast %parallel_loop3A_655 : i32 to index
        %parallel_loop3A_658 = arith.index_cast %parallel_loop3A_209 : i32 to index
        %parallel_loop3A_659 = tpu.vector_load %arg5[%parallel_loop3A_656, %parallel_loop3A_657, %parallel_loop3A_658] {strides = array<i32>} : memref<4x30x512xf32, #tpu.memory_space<vmem>>, vector<16xf32>,
        %parallel_loop3A_660 = arith.mulf %parallel_loop3A_659, %parallel_loop3A_659 : vector<16xf32>
        %parallel_loop3A_661 = arith.addf %parallel_loop3A_633, %parallel_loop3A_660 : vector<16xf32>
        %parallel_loop3A_662 = arith.constant 29 : i32
        %parallel_loop3A_663 = arith.index_cast %rem3A_144 : i32 to index
        %parallel_loop3A_664 = arith.index_cast %parallel_loop3A_662 : i32 to index
        %parallel_loop3A_665 = arith.index_cast %parallel_loop3A_209 : i32 to index
        %parallel_loop3A_666 = tpu.vector_load %arg5[%parallel_loop3A_663, %parallel_loop3A_664, %parallel_loop3A_665] {strides = array<i32>} : memref<4x30x512xf32, #tpu.memory_space<vmem>>, vector<16xf32>,
        %parallel_loop3A_667 = arith.mulf %parallel_loop3A_666, %parallel_loop3A_666 : vector<16xf32>
        %parallel_loop3A_668 = arith.addf %parallel_loop3A_640, %parallel_loop3A_667 : vector<16xf32>
        %parallel_loop3A_669 = arith.addf %parallel_loop3A_647, %parallel_loop3A_654 : vector<16xf32>
        %parallel_loop3A_670 = arith.addf %parallel_loop3A_661, %parallel_loop3A_668 : vector<16xf32>
        %parallel_loop3A_671 = arith.addf %parallel_loop3A_669, %parallel_loop3A_670 : vector<16xf32>
        %parallel_loop3A_672 = arith.fptosi %parallel_loop3A_234 : vector<16xf32> to vector<16xi32>
        %parallel_loop3A_673 = vector.broadcast %rem3A_144 : i32 to vector<16xi32>
        %parallel_loop3A_674 = arith.constant 10 : i32
        %parallel_loop3A_675 = vector.broadcast %parallel_loop3A_674 : i32 to vector<16xi32>
        %parallel_loop3A_676 = arith.addi %parallel_loop3A_675, %parallel_loop3A_672 : vector<16xi32>
        %parallel_loop3A_677 = vector.broadcast %parallel_loop3A_209 : i32 to vector<16xi32>
        %parallel_loop3A_678 = arith.addi %parallel_loop3A_677, %iota3A : vector<16xi32>
        %parallel_loop3A_679 = tpu.vector_load_idx %arg5[%parallel_loop3A_673, %parallel_loop3A_676, %parallel_loop3A_678] : memref<4x30x512xf32, #tpu.memory_space<vmem>>[vector<16xi32>, vector<16xi32>, vector<16xi32>], vector<16xf32>,
        %parallel_loop3A_680 = arith.constant 2.000000e+00 : f32
        %parallel_loop3A_681 = vector.broadcast %parallel_loop3A_680 : f32 to vector<16xf32>
        %parallel_loop3A_682 = arith.mulf %parallel_loop3A_681, %parallel_loop3A_679 : vector<16xf32>
        %parallel_loop3A_683 = arith.subf %parallel_loop3A_671, %parallel_loop3A_682 : vector<16xf32>
        %parallel_loop3A_684 = arith.constant 1.000000e+00 : f32
        %parallel_loop3A_685 = vector.broadcast %parallel_loop3A_684 : f32 to vector<16xf32>
        %parallel_loop3A_686 = arith.addf %parallel_loop3A_683, %parallel_loop3A_685 : vector<16xf32>
        %parallel_loop3A_687 = arith.select %parallel_loop3A_237, %parallel_loop3A_686, %broadcast_in_dim3A_3 : vector<16xi1>, vector<16xf32>
        %parallel_loop3A_688 = arith.addf %parallel_loop3A_206, %parallel_loop3A_687 : vector<16xf32>
        scf.yield %parallel_loop3A_390, %parallel_loop3A_523, %parallel_loop3A_688, %parallel_loop3A_528 : vector<16xf32>, vector<16xf32>, vector<16xf32>, vector<16xf32>
      } {sc.loop_unroll_factor = 1 : i64, sc.parallel_access}
      scf.yield %parallel_loop3A_202#0, %parallel_loop3A_202#1, %parallel_loop3A_202#2, %parallel_loop3A_202#3 : vector<16xf32>, vector<16xf32>, vector<16xf32>, vector<16xf32>
    }
    %scan3A_127 = arith.constant 49 : i32
    %swap3A = arith.constant 0 : index
    %swap3A_128 = tpu.vector_load %arg7[%swap3A] {strides = array<i32>} : memref<64xf32, #tpu.memory_space<vmem>>, vector<16xf32>,
    tpu.vector_store %arg7[%swap3A], %scan3A_126#0 {strides = array<i32>} : memref<64xf32, #tpu.memory_space<vmem>>, vector<16xf32>,
    %swap3A_129 = arith.constant 16 : index
    %swap3A_130 = tpu.vector_load %arg7[%swap3A_129] {strides = array<i32>} : memref<64xf32, #tpu.memory_space<vmem>>, vector<16xf32>,
    tpu.vector_store %arg7[%swap3A_129], %scan3A_126#1 {strides = array<i32>} : memref<64xf32, #tpu.memory_space<vmem>>, vector<16xf32>,
    %swap3A_131 = arith.constant 32 : index
    %swap3A_132 = tpu.vector_load %arg7[%swap3A_131] {strides = array<i32>} : memref<64xf32, #tpu.memory_space<vmem>>, vector<16xf32>,
    tpu.vector_store %arg7[%swap3A_131], %scan3A_126#2 {strides = array<i32>} : memref<64xf32, #tpu.memory_space<vmem>>, vector<16xf32>,
    %swap3A_133 = arith.constant 48 : index
    %swap3A_134 = tpu.vector_load %arg7[%swap3A_133] {strides = array<i32>} : memref<64xf32, #tpu.memory_space<vmem>>, vector<16xf32>,
    tpu.vector_store %arg7[%swap3A_133], %scan3A_126#3 {strides = array<i32>} : memref<64xf32, #tpu.memory_space<vmem>>, vector<16xf32>,
    %mul3A_135 = arith.constant 4 : i32
    %mul3A_136 = arith.muli %add3A, %mul3A_135 : i32
    %mul3A_137 = arith.constant 16 : i32
    %mul3A_138 = arith.muli %mul3A_136, %mul3A_137 : i32
    "tpu.region"() ({
      %run_scoped3A = tpu.sem_alloc : memref<!tpu.dma_semaphore, #tpu.memory_space<semaphore_mem>>
      %dma_start3A_139 = tpu.memref_slice %arg4[%mul3A_138] : memref<2048xf32, #tpu.memory_space<hbm>> -> memref<64xf32, #tpu.memory_space<hbm>>
      %dma_start3A_140 = tpu.memref_slice %arg4[%mul3A_138] : memref<2048xf32, #tpu.memory_space<hbm>> -> memref<64xf32, #tpu.memory_space<hbm>>
      tpu.enqueue_dma source(%arg7 : memref<64xf32, #tpu.memory_space<vmem>>) target(%dma_start3A_140 : memref<64xf32, #tpu.memory_space<hbm>>) target_semaphore(%run_scoped3A : memref<!tpu.dma_semaphore, #tpu.memory_space<semaphore_mem>>)
      %dma_wait3A = tpu.memref_slice %arg4[%mul3A_138] : memref<2048xf32, #tpu.memory_space<hbm>> -> memref<64xf32, #tpu.memory_space<hbm>>
      %dma_wait3A_141 = tpu.memref_slice %arg4[%mul3A_138] : memref<2048xf32, #tpu.memory_space<hbm>> -> memref<64xf32, #tpu.memory_space<hbm>>
      tpu.wait_dma2 semaphore(%run_scoped3A : memref<!tpu.dma_semaphore, #tpu.memory_space<semaphore_mem>>) src(%arg7 : memref<64xf32, #tpu.memory_space<vmem>>) dst(%dma_wait3A_141 : memref<64xf32, #tpu.memory_space<hbm>>)
      tpu.yield
    }) : () -> ()
    return
  }
}

</mosaic_0001>

<sc_bundles>
// kernel: kernel.3.cloned.1.call-start
scs
__scs_entry_jumppad:
0x0: {  	(pc) =	sbr.rel $0x88, $3  }
0x1: {  	(tag) =	ssettag $0x0;
	lr =	simm.s32 $0x1  }
0x2: {  	[smem:$0x3F9F] =	sst lr;
	_ =	strace $0xD0000000  }
0x3: {  	_ = 	snop  }
0x4: {  	_ = 	snop  }
0x5: {  	_ = 	snop  }
0x6: {  	_ = 	snop  }
0x7: {  	_ = 	snop  }
__scs_overlays_trampoline_lowered:
0x8: {  	[smem:$0x3FAE] =	sst s0  }
0x9: {  	[smem:$0x3FAF] =	sst s1  }
0xa: {  	[smem:$0x3FB0] =	sst s2  }
0xb: {  	[smem:$0x3FB1] =	sst s3  }
0xc: {  	[smem:$0x3FB2] =	sst s4  }
0xd: {  	[smem:$0x3FB3] =	sst s5  }
0xe: {  	[smem:$0x3FB4] =	sst s6  }
0xf: {  	[smem:$0x3FB5] =	sst s7  }
0x10: {  	[smem:$0x3FB6] =	sst s8  }
0x11: {  	[smem:$0x3FB7] =	sst s9;
	s0 =	simm.s32 @!p0 $0x0  }
0x12: {  	s1 =	sld [smem:$0x3F9D];
	s0 =	simm.s32 @p0 $0x1  }
0x13: {  	[smem:$0x3FB8] =	sst s0;
	s0 =	simm.s32 @!p1 $0x0  }
0x14: {  	s2 =	sld [smem:$0x3F9C];
	s0 =	simm.s32 @p1 $0x1  }
0x15: {  	[smem:$0x3FB9] =	sst s0;
	s0 =	simm.s32 @!p2 $0x0  }
0x16: {  	s3 =	sld [smem:$0x3FDB];
	s0 =	simm.s32 @p2 $0x1  }
0x17: {  	s4 =	simm.s32 $0x1BF5;
	[smem:$0x3FBB] =	sst s0  }
0x18: {  	s0 =	sld [smem:$0x3F9E];
	_ =	swait.ge [sflag:s4], $0x0  }
0x19: {  	s7 =	sld [smem:$0x3F9F]  }
0x1a: {  	s8 =	sadd.s32 $0xFFFFE003, lr  }
0x1b: {  	s9 =	sadd.s32 $0xFFFFFEF7, lr;
	s5 =	simm.s32 $0xFFFFFFFF;
	p2 =	slt.u32 s8, $0xFFFFF086  }
0x1c: {  	p1 =	slt.u32 s9, $0xF7A;
	s5 =	simm.s32 @!p2 $0x0  }
0x1d: {  	s5 =	simm.s32 @p1 $0x1;
	p0 =	seq.s32 s7, s2  }
0x1e: {  	s7 =	smul.u32 @!p0 $0xF7A, s2;
	p2 =	seq.s32 @!p0 s5, $0x0  }
0x1f: {  	s9 =	smul.u32 $0xF7A, s1;
	s8 =	simm.s32 @!p0 $0x1BF5;
	p2 =	por !p2, p0  }
0x20: {  	[sflag:s8] =	ssyncset.s32 @!p0 $0xFFFFF086;
	s6 =	sadd.s32 @!p0 s3, s7;
	s7 =	simm.s32 @!p0 $0x108  }
0x21: {  	s3 =	sadd.s32 s3, s9;
	s6 =	sadd.s32 @!p0 $0x88, s6;
	s7 =	simm.s32 @p2 $0x1082  }
0x22: {  	[simem:s7], [sflag:s8] =	dma.local @!p0 [hbm:s6], $0xF7A  }
0x23: {  	s9 =	sor.u32 $0xD0000000, s2;
	s6 =	simm.s32 $0x108;
	_ =	swait.ge @!p0 [sflag:s8], $0x0  }
0x24: {  	s3 =	sadd.s32 $0x88, s3;
	s6 =	simm.s32 @!p1 $0x1082;
	[sflag:s4] =	ssyncset.s32 $0xFFFFF086  }
0x25: {  	[simem:s6], [sflag:s4] =	dma.local [hbm:s3], $0xF7A  }
0x26: {  	[smem:$0x3F9F] =	sst s1;
	(tag) =	ssettag s2;
	_ =	strace s9  }
0x27: {  	s1 =	sld [smem:$0x3FAF]  }
0x28: {  	s2 =	sld [smem:$0x3FB0]  }
0x29: {  	s4 =	sld [smem:$0x3FB2]  }
0x2a: {  	p0 =	seq.s32 s5, $0x0;
	s5 =	sld [smem:$0x3FB3]  }
0x2b: {  	s6 =	sld [smem:$0x3FB4]  }
0x2c: {  	s7 =	sld [smem:$0x3FB5]  }
0x2d: {  	s3 =	simm.s32 $0x108;
	s8 =	sld [smem:$0x3FB6]  }
0x2e: {  	s3 =	simm.s32 @!p0 $0x1082;
	s9 =	sld [smem:$0x3FB7]  }
0x2f: {  	lr =	sadd.s32 s0, s3;
	s0 =	sld [smem:$0x3FAE]  }
0x30: {  	s3 =	sld [smem:$0x3FB1]  }
0x31: {  	[smem:$0x3FBA] =	sst s10  }
0x32: {  	s10 =	sld [smem:$0x3FB8];
	_ =	sdelay $0x3  }
0x33: {  	p0 =	seq.s32 s10, $0x1;
	s10 =	sld [smem:$0x3FBA];
	_ =	sdelay $0x3  }
0x34: {  	[smem:$0x3FBA] =	sst s10  }
0x35: {  	s10 =	sld [smem:$0x3FB9];
	_ =	sdelay $0x3  }
0x36: {  	p1 =	seq.s32 s10, $0x1;
	s10 =	sld [smem:$0x3FBA];
	_ =	sdelay $0x3  }
0x37: {  	[smem:$0x3FBA] =	sst s10  }
0x38: {  	s10 =	sld [smem:$0x3FBB]  }
0x39: {  	_ = 	snop;
	(pc) =	sbr.ind lr, $3  }
0x3a: {  	_ = 	snop  }
0x3b: {  	_ = 	snop  }
0x3c: {  	p2 =	seq.s32 s10, $0x1;
	s10 =	sld [smem:$0x3FBA]  }
0x3d: {  	_ =	shalt  }
0x3e: {  	_ =	shalt  }
0x3f: {  	_ =	shalt  }
0x40: {  	_ =	shalt  }
0x41: {  	_ =	shalt  }
0x42: {  	_ =	shalt  }
0x43: {  	_ =	shalt  }
0x44: {  	_ =	shalt  }
0x45: {  	_ =	shalt  }
0x46: {  	_ =	shalt  }
0x47: {  	_ =	shalt  }
0x48: {  	_ =	shalt  }
0x49: {  	_ =	shalt  }
0x4a: {  	_ =	shalt  }
0x4b: {  	_ =	shalt  }
0x4c: {  	_ =	shalt  }
0x4d: {  	_ =	shalt  }
0x4e: {  	_ =	shalt  }
0x4f: {  	_ =	shalt  }
0x50: {  	_ =	shalt  }
0x51: {  	_ =	shalt  }
0x52: {  	_ =	shalt  }
0x53: {  	_ =	shalt  }
0x54: {  	_ =	shalt  }
0x55: {  	_ =	shalt  }
0x56: {  	_ =	shalt  }
0x57: {  	_ =	shalt  }
0x58: {  	_ =	shalt  }
0x59: {  	_ =	shalt  }
0x5a: {  	_ =	shalt  }
0x5b: {  	_ =	shalt  }
0x5c: {  	_ =	shalt  }
0x5d: {  	_ =	shalt  }
0x5e: {  	_ =	shalt  }
0x5f: {  	_ =	shalt  }
0x60: {  	_ =	shalt  }
0x61: {  	_ =	shalt  }
0x62: {  	_ =	shalt  }
0x63: {  	_ =	shalt  }
0x64: {  	_ =	shalt  }
0x65: {  	_ =	shalt  }
0x66: {  	_ =	shalt  }
0x67: {  	_ =	shalt  }
0x68: {  	_ =	shalt  }
0x69: {  	_ =	shalt  }
0x6a: {  	_ =	shalt  }
0x6b: {  	_ =	shalt  }
0x6c: {  	_ =	shalt  }
0x6d: {  	_ =	shalt  }
0x6e: {  	_ =	shalt  }
0x6f: {  	_ =	shalt  }
0x70: {  	_ =	shalt  }
0x71: {  	_ =	shalt  }
0x72: {  	_ =	shalt  }
0x73: {  	_ =	shalt  }
0x74: {  	_ =	shalt  }
0x75: {  	_ =	shalt  }
0x76: {  	_ =	shalt  }
0x77: {  	_ =	shalt  }
0x78: {  	_ =	shalt  }
0x79: {  	_ =	shalt  }
0x7a: {  	_ =	shalt  }
0x7b: {  	_ =	shalt  }
0x7c: {  	_ =	shalt  }
0x7d: {  	_ =	shalt  }
0x7e: {  	_ =	shalt  }
0x7f: {  	_ =	shalt  }
0x80: {  	_ =	shalt  }
0x81: {  	_ =	shalt  }
0x82: {  	_ =	shalt  }
0x83: {  	_ =	shalt  }
0x84: {  	_ =	shalt  }
0x85: {  	_ =	shalt  }
0x86: {  	_ =	shalt  }
0x87: {  	_ =	shalt  }
.Lfunc_end0:
.L_simem_size_0:
called_computation_lowered:
.L_overlay_start_0:
0x88: {  	s2 =	sld [smem:$0x3FD9]  }
0x89: {  	s3 =	sld [smem:$0x3FFE];
	_ =	sdelay $0x1  }
0x8a: {  	s1 =	srdreg.scid  }
0x8b: {  	s0 =	sand.u32 $0x1, s1  }
0x8c: {  	s17 =	sshll.u32 s0, $0xA;
	s2 =	sadd.s32 s3, s2  }
0x8d: {  	s2 =	sadd.s32 s2, s17  }
0x8e: {  	[smem:$0x3FC6] =	sst s2  }
0x8f: {  	_ = 	snop  }
0x90: {  	s2 =	sld [smem:$0x3FC9]  }
0x91: {  	s18 =	sld [smem:$0x3FC8];
	(tm) =	ssettm $0x1  }
0x92: {  	s4 =	sld [smem:$0x3FFB];
	_ =	sdelay $0x3  }
0x93: {  	_ =	strace s4  }
0x94: {  	s4 =	sld [smem:$0x3FFC];
	_ =	sdelay $0x3  }
0x95: {  	_ =	strace s4  }
0x96: {  	s4 =	sld [smem:$0x3FFD];
	_ =	sdelay $0x3  }
0x97: {  	_ =	strace s4  }
0x98: {  	_ =	strace $0x8FFFFFFF  }
0x99: {  	s19 =	sld [smem:$0x3FDB];
	_ =	sdelay $0x1  }
0x9a: {  	s5 =	simm.s32 $_scs_section_size  }
0x9b: {  	s6 =	simm.s32 $_size__tile_overlayer_lowered;
	s7 =	simm.s32 $_tile_overlayer_lowered  }
0x9c: {  	s22 =	simm.s32 $0x1BFF;
	s21 =	sshll.u32 s7, $0x1;
	s4 =	sadd.s32 s5, s19  }
0x9d: {  	s8 =	simm.s32 $0x0;
	s20 =	sshll.u32 s6, $0x1;
	s6 =	sadd.s32 s21, s4  }
0x9e: {  	[timem:s8], [sflag:s22] =	dma.local [hbm:s6], s20  }
0x9f: {  	_ =	swait.ge [sflag:s22], s20  }
0xa0: {  	s5 =	ssub.s32 $0x0, s20;
	[sflag:s22] =	ssyncset.done $0x0  }
0xa1: {  	[sflag:s22] =	ssyncadd.s32 s5;
	_ =	sdelay $0x1  }
0xa2: {  	s23 =	simm.s32 $0x1B8B  }
0xa3: {  	_ =	swait.ge [sflag:s23], $0x1  }
0xa4: {  	[sflag:s23] =	ssyncset.done $0x0  }
0xa5: {  	s25 =	simm.s32 $0x1B8E;
	s24 =	sld [smem:$0x3FFE];
	[sflag:s23] =	ssyncadd.s32 $0xFFFFFFFF  }
0xa6: {  	s26 =	simm.s32 $execute0_lowered;
	[smem:$0x3FD2] =	sst s25  }
0xa7: {  	s6 =	sshll.u32 s26, $0x1;
	_ =	strace $0x80000046;
	[dreg:$0x1] =	wrdreg $0xFFFFFFFF  }
0xa8: {  	s28 =	simm.s32 $_size_execute0_lowered;
	s4 =	sadd.s32 s4, s6;
	[dreg:$0x0] =	wrdreg $0x0  }
0xa9: {  	s6 =	sshll.u32 s28, $0x1;
	[dreg:$0x2] =	wrdreg s4  }
0xaa: {  	[dreg:$0x3] =	wrdreg s6  }
0xab: {  	[dreg:$0x4] =	wrdreg $0xC0  }
0xac: {  	_ =	task [dreg:s8], $0x5FFFF  }
0xad: {  	[dreg:$0x1] =	wrdreg $0xFFFFFFFF  }
0xae: {  	[dreg:$0x0] =	wrdreg $0x60  }
0xaf: {  	[dreg:$0x2] =	wrdreg s2  }
0xb0: {  	[dreg:$0x3] =	wrdreg s18  }
0xb1: {  	[dreg:$0x4] =	wrdreg s24  }
0xb2: {  	[dreg:$0x5] =	wrdreg $0x9  }
0xb3: {  	_ =	task.clear_ibuf [dreg:s8], $0x6FFFF;
	_ =	strace $0x90000046  }
0xb4: {  	s29 =	simm.s32 $0x9;
	_ =	strace $0x80000048  }
0xb5: {  	_ =	swait.ge [sflag:s29], $0x1  }
0xb6: {  	[sflag:s29] =	ssyncadd.s32 $0xFFFFFFFF  }
0xb7: {  	_ =	strace $0x90000048  }
0xb8: {  	_ =	sfence  }
0xb9: {  	s30 =	sld [smem:$0x0];
	_ =	sdelay $0x2  }
0xba: {  	s31 =	sshll.u32 s1, $0xD;
	s1 =	sshrl.u32 s1, $0x2  }
0xbb: {  	s3 =	sand.u32 $0x4000, s31;
	s1 =	sadd.s32 s1, s30  }
0xbc: {  	s0 =	sor.u32 s3, s0;
	s1 =	sshll.u32 s1, $0x11  }
0xbd: {  	s0 =	sor.u32 s1, s0  }
0xbe: {  	s0 =	sadd.s32 $0x8F2B, s0  }
0xbf: {  	[sflag:s0] =	ssyncadd.remote.s32 $0x1  }
0xc0: {  	_ =	sfence.sel $0xFFFF  }
0xc1: {  	[dreg:$0x0] =	wrdreg $0xFFFFFFFF;
	(pc) =	sbr.abs _section_cstart, $3  }
0xc2: {  	[dreg:$0x1] =	wrdreg $0xFFFFFFFF  }
0xc3: {  	_ =	task.clear_ibuf [dreg:s8], $0x2FFFF;
	_ =	strace $0x9FFFFFFF  }
0xc4: {  	(tm) =	ssettm $0x7FFFFFFF  }
0xc5: {  	_ =	shalt  }
tec
execute0_lowered:
.L_overlay_start_1:
0x0: {  	(tag) =	ssettag $0x1  }
0x1: {  	s1 =	rddreg [dreg:$0x0]  }
0x2: {  	s3 =	rddreg [dreg:$0x1]  }
0x3: {  	s0 =	rddreg [dreg:$0x2]  }
0x4: {  	s2 =	srdreg.scid;
	s5 =	stileid.u32  }
0x5: {  	s4 =	simm.s32 $0x0;
	s23 =	simm.s32 $0x1000;
	s24 =	simm.s32 $0x20000  }
0x6: {  	s28 =	simm.s32 $0x5;
	s2 =	sand.u32 $0x1, s2;
	s5 =	sshll.u32 s5, $0x1  }
0x7: {  	s29 =	simm.s32 $0x0;
	[smem:$0x7FF] =	sst s4;
	s7 =	sor.u32 s2, s5  }
0x8: {  	_ =	strace $0x80000047;
	s2 =	ssub.s32 $0x2, s2;
	s5 =	sshll.u32 s7, $0x3  }
0x9: {  	s25 =	sshrl.u32 s2, $0x1;
	s6 =	sshll.u32 s7, $0x9;
	s7 =	sshll.u32 s7, $0xC  }
0xa: {  	s0 =	sadd.s32 s5, s0;
	s2 =	ssub.s32 s2, s25;
	s5 =	sadd.s32 s1, s6  }
0xb: {  	s6 =	sadd.s32 s3, s6;
	s25 =	simm.s32 $0x80;
	s8 =	sadd.s32 $0x10000, s5  }
0xc: {  	s26 =	sadd.s32 $0x10, s6;
	s30 =	sadd.s32 $0x20000, s5;
	s31 =	sadd.s32 $0x20, s6  }
0xd: {  	s12 =	sadd.s32 $0x200, s0;
	s13 =	smax.u32 s2, $0x1;
	s14 =	sadd.s32 $0x80, s6  }
0xe: {  	s15 =	sadd.s32 $0x100, s6;
	s16 =	sadd.s32 $0x180, s6;
	[dreg:$0x4] =	wrdreg s8  }
0xf: {  	s17 =	sadd.s32 $0x90, s6;
	s18 =	sadd.s32 $0x110, s6;
	[dreg:$0x5] =	wrdreg s26  }
0x10: {  	s19 =	sadd.s32 $0x190, s6;
	s20 =	sadd.s32 $0xA0, s6;
	[dreg:$0x6] =	wrdreg s30  }
0x11: {  	v0 =	vlaneseq.u32;
	s21 =	sadd.s32 $0x120, s6;
	s22 =	sadd.s32 $0x1A0, s6;
	[dreg:$0x7] =	wrdreg s31  }
.LBB2_1:
0x12: {  	[tilespmem:s4], [sflag:$0x1] =	stream.strided.gather [hbm4b:s5+s23], $0x4000, s24, s23, $0x38;
	[tilespmem:$0x14080] =	vst v63  }
0x13: {  	s0 =	simm.s32 $0x10000  }
0x14: {  	[tilespmem:s0], [sflag:$0x1] =	stream.strided.gather [hbm4b:s6+s25], $0x280, s24, s25, $0x38;
	[tilespmem:$0x14080] =	vst v63  }
0x15: {  	s26 =	simm.s32 $0x10400  }
0x16: {  	[tilespmem:s26], [sflag:$0x1] =	stream.strided.gather [hbm4b:s14+s25], $0x280, s24, s25, $0x38;
	[tilespmem:$0x14080] =	vst v63  }
0x17: {  	s31 =	simm.s32 $0x10800  }
0x18: {  	[tilespmem:s31], [sflag:$0x1] =	stream.strided.gather [hbm4b:s15+s25], $0x280, s24, s25, $0x38;
	[tilespmem:$0x14080] =	vst v63  }
0x19: {  	s2 =	simm.s32 $0x10C00  }
0x1a: {  	[tilespmem:s2], [sflag:$0x1] =	stream.strided.gather [hbm4b:s16+s25], $0x280, s24, s25, $0x38;
	[tilespmem:$0x14080] =	vst v63  }
0x1b: {  	s8 =	rddreg [dreg:$0x4];
	s2 =	simm.s32 $0x4000  }
0x1c: {  	[tilespmem:s2], [sflag:$0x2] =	stream.strided.gather [hbm4b:s8+s23], $0x4000, s24, s23, $0x38;
	[tilespmem:$0x14080] =	vst v63  }
0x1d: {  	s9 =	rddreg [dreg:$0x5];
	s10 =	simm.s32 $0x11000  }
0x1e: {  	[tilespmem:s10], [sflag:$0x2] =	stream.strided.gather [hbm4b:s9+s25], $0x280, s24, s25, $0x38;
	[tilespmem:$0x14080] =	vst v63  }
0x1f: {  	s11 =	simm.s32 $0x11400  }
0x20: {  	[tilespmem:s11], [sflag:$0x2] =	stream.strided.gather [hbm4b:s17+s25], $0x280, s24, s25, $0x38;
	[tilespmem:$0x14080] =	vst v63  }
0x21: {  	s26 =	simm.s32 $0x11800  }
0x22: {  	[tilespmem:s26], [sflag:$0x2] =	stream.strided.gather [hbm4b:s18+s25], $0x280, s24, s25, $0x38;
	[tilespmem:$0x14080] =	vst v63  }
0x23: {  	s31 =	simm.s32 $0x11C00  }
0x24: {  	[tilespmem:s31], [sflag:$0x2] =	stream.strided.gather [hbm4b:s19+s25], $0x280, s24, s25, $0x38;
	[tilespmem:$0x14080] =	vst v63  }
0x25: {  	s2 =	rddreg [dreg:$0x6];
	s8 =	simm.s32 $0x8000  }
0x26: {  	[tilespmem:s8], [sflag:$0x3] =	stream.strided.gather [hbm4b:s2+s23], $0x4000, s24, s23, $0x38;
	[tilespmem:$0x14080] =	vst v63  }
0x27: {  	s9 =	rddreg [dreg:$0x7];
	s10 =	simm.s32 $0x12000  }
0x28: {  	[tilespmem:s10], [sflag:$0x3] =	stream.strided.gather [hbm4b:s9+s25], $0x280, s24, s25, $0x38;
	[tilespmem:$0x14080] =	vst v63  }
0x29: {  	s11 =	simm.s32 $0x12400  }
0x2a: {  	[tilespmem:s11], [sflag:$0x3] =	stream.strided.gather [hbm4b:s20+s25], $0x280, s24, s25, $0x38;
	[tilespmem:$0x14080] =	vst v63  }
0x2b: {  	s26 =	simm.s32 $0x12800  }
0x2c: {  	[tilespmem:s26], [sflag:$0x3] =	stream.strided.gather [hbm4b:s21+s25], $0x280, s24, s25, $0x38;
	[tilespmem:$0x14080] =	vst v63  }
0x2d: {  	v2 =	vimm.f32 $0.0e+00;
	s30 =	simm.s32 $0x0;
	s31 =	simm.s32 $0x12C00  }
0x2e: {  	v1 =	vimm.f32 $0.0e+00;
	v4 =	vimm.f32 $0.0e+00;
	v5 =	vimm.f32 $0.0e+00;
	[tilespmem:s31], [sflag:$0x3] =	stream.strided.gather [hbm4b:s22+s25], $0x280, s24, s25, $0x38;
	[tilespmem:$0x14080] =	vst v63  }
.LBB2_2:
0x2f: {  	p0 =	sgt.u32 s30, $0x2D  }
0x30: {  	s0 =	sadd.s32 @!p0 $0x3, s30  }
0x31: {  	s2 =	smul.u32 @!p0 $0x25, s0;
	_ =	sdelay $0x1  }
0x32: {  	s2 =	sshrl.u32 @!p0 s2, $0x8  }
0x33: {  	s8 =	ssub.s32 @!p0 s0, s2  }
0x34: {  	s8 =	sand.u32 @!p0 $0xFE, s8  }
0x35: {  	s8 =	sshrl.u32 @!p0 s8, $0x1  }
0x36: {  	s2 =	sadd.s32 @!p0 s2, s8  }
0x37: {  	s2 =	sand.u32 @!p0 $0xFC, s2  }
0x38: {  	s2 =	sshrl.u32 @!p0 s2, $0x2  }
0x39: {  	s8 =	smul.u32 @!p0 $0xFFFFFFF9, s2;
	_ =	sdelay $0x1  }
0x3a: {  	s9 =	smul.u32 @!p0 $0x380000, s2;
	s8 =	sadd.s32 @!p0 s0, s8  }
0x3b: {  	s26 =	sshll.u32 @!p0 s8, $0x13  }
0x3c: {  	s9 =	sadd.s32 @!p0 s9, s26  }
0x3d: {  	s10 =	simm.s32 @!p0 $0x1000;
	s9 =	sor.u32 @!p0 s7, s9  }
0x3e: {  	s11 =	simm.s32 @!p0 $0x20000;
	s0 =	sand.u32 @!p0 $0x3, s0;
	s9 =	sshrl.u32 @!p0 s9, $0x3  }
0x3f: {  	s31 =	sshll.u32 @!p0 s0, $0xE;
	s26 =	sadd.s32 @!p0 $0x1, s0;
	s9 =	sadd.s32 @!p0 s1, s9  }
0x40: {  	[tilespmem:s31], [sflag:s26] =	stream.strided.gather @!p0 [hbm4b:s9+s10], $0x4000, s11, s10, $0x38;
	[tilespmem:$0x14080] =	vst v63  }
0x41: {  	s2 =	smul.u32 @!p0 $0xA0000, s2;
	s9 =	sshll.u32 @!p0 s8, $0xE  }
0x42: {  	s8 =	sshll.u32 @!p0 s8, $0x7;
	s9 =	sand.u32 @!p0 $0xFFFE0000, s9  }
0x43: {  	s8 =	sand.u32 @!p0 $0x380, s8;
	s2 =	sadd.s32 @!p0 s2, s9  }
0x44: {  	s2 =	sor.u32 @!p0 s8, s2  }
0x45: {  	s2 =	sor.u32 @!p0 s7, s2  }
0x46: {  	s0 =	sshll.u32 @!p0 s0, $0xC;
	s2 =	sshrl.u32 @!p0 s2, $0x3  }
0x47: {  	s9 =	simm.s32 @!p0 $0x80;
	s8 =	sor.u32 @!p0 $0x10000, s0;
	s2 =	sadd.s32 @!p0 s3, s2  }
0x48: {  	[tilespmem:s8], [sflag:s26] =	stream.strided.gather @!p0 [hbm4b:s2+s9], $0x280, s11, s9, $0x38;
	[tilespmem:$0x14080] =	vst v63  }
0x49: {  	s10 =	sor.u32 @!p0 $0x10400, s0;
	s8 =	sadd.s32 @!p0 $0x80, s2  }
0x4a: {  	[tilespmem:s10], [sflag:s26] =	stream.strided.gather @!p0 [hbm4b:s8+s9], $0x280, s11, s9, $0x38;
	[tilespmem:$0x14080] =	vst v63  }
0x4b: {  	s8 =	sadd.s32 @!p0 $0x100, s2;
	s10 =	sor.u32 @!p0 $0x10800, s0  }
0x4c: {  	[tilespmem:s10], [sflag:s26] =	stream.strided.gather @!p0 [hbm4b:s8+s9], $0x280, s11, s9, $0x38;
	[tilespmem:$0x14080] =	vst v63  }
0x4d: {  	s2 =	sadd.s32 @!p0 $0x180, s2;
	s0 =	sor.u32 @!p0 $0x10C00, s0;
	s10 =	sand.u32 $0x3, s30  }
0x4e: {  	[tilespmem:s0], [sflag:s26] =	stream.strided.gather @!p0 [hbm4b:s2+s9], $0x280, s11, s9, $0x38;
	[tilespmem:$0x14080] =	vst v63  }
0x4f: {  	s2 =	sadd.s32 $0x1, s10  }
0x50: {  	_ =	swait.ge [sflag:s2], $0x4000  }
0x51: {  	s31 =	sshll.u32 s10, $0xE;
	[sflag:s2] =	ssyncset.done $0x0  }
0x52: {  	s8 =	simm.s32 $0x0;
	s11 =	sshrl.u32 s31, $0x2;
	[sflag:s2] =	ssyncadd.s32 $0xFFFFC000  }
0x53: {  	s9 =	sand.u32 $0xC00, s8;
	s0 =	sor.u32 $0x10000, s11;
	_ =	swait.ge [sflag:s2], $0xA00  }
0x54: {  	s10 =	sand.u32 $0x70, s8;
	s26 =	sadd.s32 s9, s0;
	[sflag:s2] =	ssyncset.done $0x0  }
0x55: {  	s11 =	sadd.s32 s10, s26;
	[sflag:s2] =	ssyncadd.s32 $0xFFFFF600  }
0x56: {  	s9 =	sadd.s32 s9, s31;
	v8 =	vld [tilespmem:s11+$0x0]  }
0x57: {  	s2 =	sadd.s32 s10, s9;
	v7 =	vld [tilespmem:s11+$0x80]  }
0x58: {  	v14 =	vld [tilespmem:s2+$0x80]  }
0x59: {  	v13 =	vld [tilespmem:s2+$0x100]  }
0x5a: {  	v10 =	vld [tilespmem:s11+$0x100]  }
0x5b: {  	v6 =	vld [tilespmem:s11+$0x180]  }
0x5c: {  	v19 =	vld [tilespmem:s2+$0x180]  }
0x5d: {  	v20 =	vld [tilespmem:s2+$0x200]  }
0x5e: {  	v21 =	vld [tilespmem:s2+$0x1000]  }
0x5f: {  	v9 =	vor.u32 s8, v0;
	v23 =	vld [tilespmem:s2+$0x1080]  }
0x60: {  	v22 =	vmov s8;
	v15 =	vld [tilespmem:s2+$0x300];
	v18 =	vmul.f32 $5.000000000e-01, v10;
	v17 =	vmul.f32 $5.000000000e-01, v6  }
0x61: {  	v11 =	vand.u32 $0x7F, v9;
	v33 =	vld [tilespmem:s11+$0x200];
	v24 =	vmul.f32 v6, v10;
	v25 =	vmul.f32 $5.000000000e-01, v19  }
0x62: {  	v16 =	vld [tilespmem:s2+$0x380];
	v28 =	vmul.f32 $5.000000000e-01, v20;
	v9 =	vsub.f32 v8, v18;
	v12 =	vadd.f32 v18, v8  }
0x63: {  	v30 =	vmul.f32 $5.000000000e-01, v21;
	v26 =	vsub.f32 v7, v17;
	v27 =	vadd.f32 v17, v7  }
0x64: {  	v32 =	vmul.f32 $5.000000000e-01, v23;
	v29 =	vsub.f32 v14, v25;
	v25 =	vadd.f32 v25, v14  }
0x65: {  	v34 =	vmul.f32 v20, v19;
	v31 =	vsub.f32 v13, v28;
	v28 =	vadd.f32 v28, v13  }
0x66: {  	v56 =	vtrunc.f32 v33;
	v35 =	vsub.f32 v15, v30;
	v30 =	vadd.f32 v30, v15  }
0x67: {  	v37 =	vld [tilespmem:s2+$0x1100];
	v36 =	vsub.f32 v16, v32;
	v32 =	vadd.f32 v32, v16;
	v25 =	vmin.f32 v25, v12  }
0x68: {  	v38 =	vld [tilespmem:s2+$0x1180];
	v29 =	vmax.f32 v29, v9;
	v28 =	vmin.f32 v28, v27;
	v31 =	vmax.f32 v31, v26  }
0x69: {  	v62 =	vld [tilespmem:s2+$0x2000];
	v12 =	vmin.f32 v30, v12;
	v9 =	vmax.f32 v35, v9;
	v27 =	vmin.f32 v32, v27  }
0x6a: {  	v44 =	vld [tilespmem:s2+$0x2080];
	v26 =	vmax.f32 v36, v26;
	v25 =	vsub.f32 v25, v29;
	v28 =	vsub.f32 v28, v31  }
0x6b: {  	v43 =	vld [tilespmem:s2+$0x2200];
	v58 =	vmul.f32 v23, v21;
	v55 =	vsub.f32 v12, v9;
	v26 =	vsub.f32 v27, v26  }
0x6c: {  	v61 =	vmul.f32 v37, v37;
	v57 =	vadd.f32 v34, v24;
	v9 =	vld [tilespmem:s2+$0x0];
	v25 =	vmax.f32 v25, $0.0e+00  }
0x6d: {  	v12 =	vld [tilespmem:s2+$0x280];
	v28 =	vmax.f32 v28, $0.0e+00;
	v31 =	vmax.f32 v55, $0.0e+00;
	v26 =	vmax.f32 v26, $0.0e+00  }
0x6e: {  	v53 =	vld [tilespmem:s2+$0x1200];
	v24 =	vadd.f32 v58, v24;
	v25 =	vmul.f32 v28, v25;
	v26 =	vmul.f32 v26, v31  }
0x6f: {  	v3 =	vmov s31;
	v54 =	vld [tilespmem:s2+$0x1280];
	v63 =	vmul.f32 v38, v38;
	v47 =	vmul.f32 v62, v62  }
0x70: {  	v59 =	vld [tilespmem:s2+$0x1300];
	v49 =	vmul.f32 v44, v44;
	v32 =	vsub.f32 v57, v25;
	v24 =	vsub.f32 v24, v26  }
0x71: {  	v22 =	vshll.u32 v22, $0x3;
	v37 =	vmul.f32 v43, v43;
	v25 =	vmul.f32 v25, v9  }
0x72: {  	v60 =	vld [tilespmem:s2+$0x1380];
	v26 =	vmul.f32 v26, v12;
	v32 =	vadd.f32 $9.999999710e-10, v32;
	v24 =	vadd.f32 $9.999999710e-10, v24  }
0x73: {  	v22 =	vand.u32 $0xC00, v22;
	v30 =	vmul.f32 v53, v53;
	v27 =	vcvt.f32.s32 v56  }
0x74: {  	v48 =	vshrl.u32 v6, $0x1;
	v26 =	vmul.f32 v26, v32;
	v24 =	vmul.f32 v24, v25  }
0x75: {  	v50 =	vshrl.u32 v10, $0x1;
	v34 =	vmul.f32 v59, v59;
	v29 =	vmul.f32 v54, v54  }
0x76: {  	v30 =	vadd.f32 v47, v30;
	v27 =	vadd.s32 $0xA, v27;
	vm0 =	vgt.f32 v26, v24  }
0x77: {  	v28 =	vmul.f32 v60, v60;
	v24 =	vsub.s32 $0x5F3759DF, v48;
	v19 =	vsel vm0, v21, v19  }
0x78: {  	v21 =	vsub.s32 $0x5F3759DF, v50;
	v20 =	vsel vm0, v23, v20;
	v42 =	vmul.f32 v24, v17  }
0x79: {  	v51 =	vshrl.u32 v19, $0x1;
	v36 =	vmul.f32 $5.000000000e-01, v19;
	v53 =	vmul.f32 v21, v18  }
0x7a: {  	v39 =	vshrl.u32 v20, $0x1;
	v40 =	vmul.f32 $5.000000000e-01, v20;
	v52 =	vsub.s32 $0x5F3759DF, v51  }
0x7b: {  	v54 =	vld [tilespmem:s2+$0x2100];
	v39 =	vsub.s32 $0x5F3759DF, v39;
	v55 =	vmul.f32 v52, v36;
	v33 =	vmul.f32 v21, v53  }
0x7c: {  	v45 =	vshll.u32 v27, $0x9;
	v58 =	vmul.f32 v24, v42;
	v57 =	vmul.f32 v39, v40  }
0x7d: {  	v31 =	vadd.f32 v34, v61;
	v56 =	vmul.f32 v52, v55;
	v33 =	vsub.f32 $1.500000000e+00, v33  }
0x7e: {  	v27 =	vshll.u32 v27, $0x7;
	v61 =	vsub.f32 $1.500000000e+00, v58;
	v60 =	vmul.f32 v39, v57  }
0x7f: {  	v28 =	vadd.f32 v28, v63;
	v59 =	vsub.f32 $1.500000000e+00, v56;
	v21 =	vmul.f32 v21, v33  }
0x80: {  	v62 =	vmul.f32 v54, v54;
	v24 =	vmul.f32 v24, v61;
	v63 =	vsub.f32 $1.500000000e+00, v60  }
0x81: {  	v46 =	vand.u32 $0xFFFFF000, v45;
	v23 =	vmul.f32 v52, v59;
	v44 =	vmul.f32 v21, v18  }
0x82: {  	v25 =	vadd.s32 v3, v46;
	v47 =	vmul.f32 v24, v17;
	v32 =	vmul.f32 v39, v63  }
0x83: {  	v26 =	vadd.f32 v49, v29;
	v46 =	vmul.f32 v23, v36;
	v29 =	vmul.f32 v44, v21  }
0x84: {  	v27 =	vand.u32 $0x380, v27;
	v39 =	vmul.f32 v47, v24;
	v49 =	vmul.f32 v32, v40  }
0x85: {  	v31 =	vadd.f32 v62, v31;
	v48 =	vmul.f32 v46, v23;
	v29 =	vsub.f32 $1.500000000e+00, v29  }
0x86: {  	v22 =	vor.u32 v22, v25;
	v50 =	vsub.f32 $1.500000000e+00, v39;
	v38 =	vmul.f32 v49, v32  }
0x87: {  	v41 =	vld [tilespmem:s2+$0x2180];
	v22 =	vor.u32 v27, v22;
	v25 =	vsub.f32 $1.500000000e+00, v48;
	v21 =	vmul.f32 v29, v21  }
0x88: {  	v14 =	vsel vm0, v15, v14;
	v24 =	vmul.f32 v50, v24;
	v52 =	vsub.f32 $1.500000000e+00, v38  }
0x89: {  	v13 =	vsel vm0, v16, v13;
	v23 =	vmul.f32 v25, v23;
	v18 =	vmul.f32 v21, v18  }
0x8a: {  	v45 =	vld [tilespmem:s2+$0x2280];
	v11 =	vor.u32 v11, v22;
	v17 =	vmul.f32 v24, v17;
	v25 =	vmul.f32 v52, v32  }
0x8b: {  	v8 =	vsub.f32 v14, v8;
	v51 =	vld [tilespmem:s2+$0x2300];
	v54 =	vmul.f32 v23, v36;
	v18 =	vmul.f32 v18, v21  }
0x8c: {  	v7 =	vsub.f32 v13, v7;
	v42 =	vmul.f32 v41, v41;
	v17 =	vmul.f32 v17, v24  }
0x8d: {  	v59 =	vld [tilespmem:s2+$0x2380];
	v56 =	vmul.f32 v25, v40;
	v55 =	vmul.f32 v54, v23;
	v18 =	vsub.f32 $1.500000000e+00, v18  }
0x8e: {  	v8 =	vmul.f32 v8, v8;
	v7 =	vmul.f32 v7, v7;
	v17 =	vsub.f32 $1.500000000e+00, v17  }
0x8f: {  	v58 =	vmul.f32 v56, v25;
	v15 =	vsub.f32 $1.500000000e+00, v55;
	v16 =	vmul.f32 v18, v21;
	v18 =	vld [tilespmem:s2+$0x3000]  }
0x90: {  	v53 =	vadd.f32 v37, v30;
	v33 =	vmul.f32 v45, v45;
	v57 =	vmul.f32 v51, v51  }
0x91: {  	v13 =	vmul.f32 v17, v24;
	v17 =	vld [tilespmem:s2+$0x3180];
	v14 =	vmul.f32 v15, v23;
	v15 =	vsub.f32 $1.500000000e+00, v58  }
0x92: {  	v28 =	vadd.f32 v42, v28;
	v62 =	vmul.f32 v59, v59;
	v10 =	vmul.f32 v16, v10;
	v16 =	vld [tilespmem:s2+$0x3100]  }
0x93: {  	v7 =	vadd.f32 v7, v8;
	v60 =	vld [tilespmem:s2+$0x3080];
	v14 =	vmul.f32 v14, v19;
	v15 =	vmul.f32 v15, v25  }
0x94: {  	v61 =	vld [tilespmem:s2+$0x3200];
	v26 =	vadd.f32 v33, v26;
	v13 =	vmul.f32 v13, v6;
	v18 =	vmul.f32 v18, v18  }
0x95: {  	v19 =	vadd.f32 v57, v31;
	v10 =	vsub.f32 v14, v10;
	v14 =	vmul.f32 v15, v20;
	v15 =	vld [tilespmem:s2+$0x3280]  }
0x96: {  	s26 =	simm.s32 $0x80;
	v17 =	vmul.f32 v17, v17;
	v20 =	vsel vm0, v12, v9;
	v18 =	vadd.f32 v18, v53  }
0x97: {  	s8 =	simm.s32 $0x10;
	v63 =	vld.idx.msk [tilespmem:v11+s4+$0x0], $0xffff;
	s2 =	sand.u32 $0xC00, s26;
	v11 =	vmul.f32 v16, v16;
	v13 =	vsub.f32 v14, v13;
	v8 =	vmul.f32 v10, v10  }
0x98: {  	s10 =	sand.u32 $0x70, s8;
	s11 =	sadd.s32 s2, s0;
	s2 =	sadd.s32 s2, s31;
	v14 =	vsub.f32 $1.000000000e+00, v20;
	v10 =	vadd.f32 v62, v28;
	v20 =	vmul.f32 v60, v60  }
0x99: {  	s2 =	sadd.s32 s10, s2;
	v19 =	vadd.f32 v11, v19;
	v8 =	vadd.f32 v8, v7;
	v13 =	vmul.f32 v13, v13  }
0x9a: {  	s9 =	sadd.s32 s10, s11;
	v11 =	vld [tilespmem:s2+$0x100];
	v16 =	vadd.f32 v20, v26;
	v20 =	vmul.f32 v61, v61;
	v15 =	vmul.f32 v15, v15  }
0x9b: {  	v7 =	vld [tilespmem:s9+$0x0];
	v17 =	vadd.f32 v17, v10;
	v13 =	vadd.f32 v8, v13  }
0x9c: {  	vm0 =	vgt.f32 v6, $0.0e+00;
	v10 =	vld [tilespmem:s2+$0x80];
	v6 =	vadd.f32 v20, v18;
	v15 =	vadd.f32 v15, v16  }
0x9d: {  	v12 =	vmul.f32 v12, v12;
	v8 =	vld [tilespmem:s9+$0x80];
	v17 =	vadd.f32 v17, v19;
	v19 =	vmul.f32 v14, v14  }
0x9e: {  	v16 =	vmul.f32 v9, v9;
	v9 =	vld [tilespmem:s9+$0x100];
	v13 =	vnsel vm0, $0x0, v13;
	v15 =	vadd.f32 v15, v6  }
0x9f: {  	v18 =	vadd.f32 v63, v63;
	v20 =	vor.u32 s8, v0;
	v4 =	vadd.f32 v13, v4;
	v6 =	vld [tilespmem:s9+$0x180]  }
0xa0: {  	v14 =	vld [tilespmem:s2+$0x180];
	v19 =	vnsel vm0, $0x0, v19;
	v16 =	vadd.f32 v12, v16;
	v15 =	vadd.f32 v15, v17  }
0xa1: {  	v13 =	vld [tilespmem:s2+$0x200];
	v12 =	vand.u32 $0x7F, v20;
	v5 =	vadd.f32 v19, v5;
	v17 =	vmov s8;
	s8 =	simm.s32 $0x20  }
.LBB2_3:
0xa2: {  	p0 =	sne.s32 s8, $0x1F0;
	v27 =	vld [tilespmem:s2+$0x1000];
	v17 =	vshll.u32 v17, $0x3;
	v16 =	vsel vm0, $0x0, v16;
	v15 =	vsub.f32 v15, v18  }
0xa3: {  	v21 =	vmul.f32 $5.000000000e-01, v9;
	v28 =	vld [tilespmem:s2+$0x1080];
	v22 =	vand.u32 $0xC00, v17;
	v2 =	vadd.f32 v16, v2  }
0xa4: {  	v20 =	vmul.f32 $5.000000000e-01, v6;
	v17 =	vmul.f32 v6, v9;
	v18 =	vld [tilespmem:s2+$0x300];
	v23 =	vadd.f32 $1.000000000e+00, v15  }
0xa5: {  	v15 =	vsub.f32 v7, v21;
	v16 =	vadd.f32 v21, v7;
	v24 =	vmul.f32 $5.000000000e-01, v14;
	v19 =	vld [tilespmem:s2+$0x380]  }
0xa6: {  	v25 =	vld [tilespmem:s9+$0x200];
	v26 =	vsub.f32 v8, v20;
	v29 =	vadd.f32 v20, v8;
	v30 =	vmul.f32 $5.000000000e-01, v13  }
0xa7: {  	v31 =	vsub.f32 v10, v24;
	v24 =	vadd.f32 v24, v10;
	v32 =	vmul.f32 $5.000000000e-01, v27;
	v33 =	vld [tilespmem:s2+$0x1100]  }
0xa8: {  	v34 =	vsub.f32 v11, v30;
	v30 =	vadd.f32 v30, v11;
	v35 =	vmul.f32 $5.000000000e-01, v28;
	v36 =	vld [tilespmem:s2+$0x1180]  }
0xa9: {  	v37 =	vmul.f32 v13, v14;
	v38 =	vsub.f32 v18, v32;
	v32 =	vadd.f32 v32, v18;
	v39 =	vld [tilespmem:s2+$0x1200]  }
0xaa: {  	v24 =	vmin.f32 v24, v16;
	v40 =	vsub.f32 v19, v35;
	v35 =	vadd.f32 v35, v19;
	v41 =	vld [tilespmem:s2+$0x1280]  }
0xab: {  	v31 =	vmax.f32 v31, v15;
	v30 =	vmin.f32 v30, v29;
	v34 =	vmax.f32 v34, v26;
	v42 =	vld [tilespmem:s2+$0x1300]  }
0xac: {  	v16 =	vmin.f32 v32, v16;
	v15 =	vmax.f32 v38, v15;
	v29 =	vmin.f32 v35, v29;
	v32 =	vld [tilespmem:s2+$0x1380]  }
0xad: {  	v24 =	vsub.f32 v24, v31;
	v30 =	vsub.f32 v30, v34;
	v26 =	vmax.f32 v40, v26;
	v31 =	vld [tilespmem:s2+$0x2000]  }
0xae: {  	v25 =	vtrunc.f32 v25;
	v34 =	vsub.f32 v16, v15;
	v26 =	vsub.f32 v29, v26;
	v29 =	vld [tilespmem:s2+$0x2080]  }
0xaf: {  	v24 =	vmax.f32 v24, $0.0e+00;
	v35 =	vadd.f32 v37, v17;
	v37 =	vmul.f32 v28, v27;
	v15 =	vld [tilespmem:s2+$0x0]  }
0xb0: {  	v30 =	vmax.f32 v30, $0.0e+00;
	v34 =	vmax.f32 v34, $0.0e+00;
	v26 =	vmax.f32 v26, $0.0e+00;
	v16 =	vld [tilespmem:s2+$0x280]  }
0xb1: {  	v24 =	vmul.f32 v30, v24;
	v30 =	vadd.f32 v37, v17;
	v26 =	vmul.f32 v26, v34;
	v34 =	vld [tilespmem:s2+$0x2100]  }
0xb2: {  	v33 =	vmul.f32 v33, v33;
	v25 =	vcvt.f32.s32 v25;
	v17 =	vnsel vm0, $0x0, v23;
	v37 =	vld [tilespmem:s2+$0x2180]  }
0xb3: {  	v23 =	vsub.f32 v35, v24;
	v35 =	vmul.f32 v36, v36;
	v30 =	vsub.f32 v30, v26;
	v36 =	vld [tilespmem:s2+$0x2200]  }
0xb4: {  	v39 =	vmul.f32 v39, v39;
	v43 =	vadd.s32 $0xA, v25;
	v38 =	vmul.f32 v24, v15;
	v40 =	vld [tilespmem:s2+$0x2280]  }
0xb5: {  	v23 =	vadd.f32 $9.999999710e-10, v23;
	v25 =	vmul.f32 v26, v16;
	v26 =	vadd.f32 $9.999999710e-10, v30;
	v30 =	vld [tilespmem:s2+$0x2300]  }
0xb6: {  	v41 =	vmul.f32 v41, v41;
	v44 =	vshll.u32 v43, $0x9;
	v42 =	vmul.f32 v42, v42;
	v24 =	vld [tilespmem:s2+$0x2380]  }
0xb7: {  	v44 =	vand.u32 $0xFFFFF000, v44;
	v23 =	vmul.f32 v25, v23;
	v38 =	vmul.f32 v26, v38;
	v26 =	vld [tilespmem:s2+$0x3000]  }
0xb8: {  	v32 =	vmul.f32 v32, v32;
	v33 =	vadd.f32 v42, v33;
	v31 =	vmul.f32 v31, v31;
	v25 =	vld [tilespmem:s2+$0x3080]  }
0xb9: {  	v29 =	vmul.f32 v29, v29;
	vm0 =	vgt.f32 v23, v38;
	v38 =	vshrl.u32 v6, $0x1;
	v23 =	vld [tilespmem:s2+$0x3100]  }
0xba: {  	v42 =	vsel vm0, v27, v14;
	v27 =	vshrl.u32 v9, $0x1;
	v38 =	vsub.s32 $0x5F3759DF, v38;
	v14 =	vld [tilespmem:s2+$0x3180]  }
0xbb: {  	v45 =	vshrl.u32 v42, $0x1;
	v46 =	vmul.f32 $5.000000000e-01, v42;
	v47 =	vsub.s32 $0x5F3759DF, v27;
	v27 =	vld [tilespmem:s2+$0x3200]  }
0xbc: {  	v28 =	vsel vm0, v28, v13;
	v45 =	vsub.s32 $0x5F3759DF, v45;
	v48 =	vmul.f32 v47, v21;
	v13 =	vld [tilespmem:s2+$0x3280]  }
0xbd: {  	v50 =	vshrl.u32 v28, $0x1;
	v51 =	vmul.f32 $5.000000000e-01, v28;
	v49 =	vmul.f32 v45, v46  }
0xbe: {  	v52 =	vmul.f32 v38, v20;
	v50 =	vsub.s32 $0x5F3759DF, v50;
	v48 =	vmul.f32 v47, v48  }
0xbf: {  	v32 =	vadd.f32 v32, v35;
	v53 =	vmul.f32 v50, v51;
	v49 =	vmul.f32 v45, v49  }
0xc0: {  	v31 =	vadd.f32 v31, v39;
	v35 =	vsub.f32 $1.500000000e+00, v48;
	v48 =	vmul.f32 v38, v52  }
0xc1: {  	v29 =	vadd.f32 v29, v41;
	v39 =	vsub.f32 $1.500000000e+00, v49;
	v49 =	vmul.f32 v50, v53  }
0xc2: {  	v34 =	vmul.f32 v34, v34;
	v35 =	vmul.f32 v47, v35;
	v41 =	vsub.f32 $1.500000000e+00, v48  }
0xc3: {  	v37 =	vmul.f32 v37, v37;
	v39 =	vmul.f32 v45, v39;
	v45 =	vsub.f32 $1.500000000e+00, v49  }
0xc4: {  	v47 =	vmul.f32 v35, v21;
	v38 =	vmul.f32 v38, v41;
	v41 =	vadd.s32 v3, v44  }
0xc5: {  	v43 =	vshll.u32 v43, $0x7;
	v44 =	vmul.f32 v39, v46;
	v45 =	vmul.f32 v50, v45  }
0xc6: {  	v22 =	vor.u32 v22, v41;
	v47 =	vmul.f32 v47, v35;
	v48 =	vmul.f32 v38, v20  }
0xc7: {  	v43 =	vand.u32 $0x380, v43;
	v41 =	vmul.f32 v44, v39;
	v44 =	vmul.f32 v45, v51  }
0xc8: {  	v36 =	vmul.f32 v36, v36;
	v47 =	vsub.f32 $1.500000000e+00, v47;
	v48 =	vmul.f32 v48, v38  }
0xc9: {  	v40 =	vmul.f32 v40, v40;
	v41 =	vsub.f32 $1.500000000e+00, v41;
	v44 =	vmul.f32 v44, v45  }
0xca: {  	v33 =	vadd.f32 v34, v33;
	v35 =	vmul.f32 v47, v35;
	v47 =	vsub.f32 $1.500000000e+00, v48  }
0xcb: {  	v32 =	vadd.f32 v37, v32;
	v34 =	vmul.f32 v41, v39;
	v39 =	vsub.f32 $1.500000000e+00, v44  }
0xcc: {  	v31 =	vadd.f32 v36, v31;
	v21 =	vmul.f32 v35, v21;
	v37 =	vmul.f32 v47, v38  }
0xcd: {  	v29 =	vadd.f32 v40, v29;
	v36 =	vmul.f32 v34, v46;
	v38 =	vmul.f32 v39, v45  }
0xce: {  	v22 =	vor.u32 v43, v22;
	v21 =	vmul.f32 v21, v35;
	v20 =	vmul.f32 v37, v20  }
0xcf: {  	v12 =	vor.u32 v12, v22;
	v36 =	vmul.f32 v36, v34;
	v39 =	vmul.f32 v38, v51  }
0xd0: {  	v22 =	vmul.f32 v30, v30;
	v21 =	vsub.f32 $1.500000000e+00, v21;
	v20 =	vmul.f32 v20, v37  }
0xd1: {  	v10 =	vsel vm0, v18, v10;
	v18 =	vsub.f32 $1.500000000e+00, v36;
	v30 =	vmul.f32 v39, v38  }
0xd2: {  	v11 =	vsel vm0, v19, v11;
	v19 =	vmul.f32 v21, v35;
	v20 =	vsub.f32 $1.500000000e+00, v20  }
0xd3: {  	v7 =	vsub.f32 v10, v7;
	v10 =	vmul.f32 v18, v34;
	v18 =	vsub.f32 $1.500000000e+00, v30  }
0xd4: {  	v8 =	vsub.f32 v11, v8;
	v9 =	vmul.f32 v19, v9;
	v11 =	vmul.f32 v20, v37;
	v12 =	vld.idx.msk [tilespmem:v12+s4+$0x0], $0xffff  }
0xd5: {  	v19 =	vadd.f32 v22, v33;
	v10 =	vmul.f32 v10, v42;
	v18 =	vmul.f32 v18, v38  }
0xd6: {  	v7 =	vmul.f32 v7, v7;
	v8 =	vmul.f32 v8, v8;
	v20 =	vsel vm0, v16, v15  }
0xd7: {  	v11 =	vmul.f32 v11, v6;
	v9 =	vsub.f32 v10, v9;
	v10 =	vmul.f32 v18, v28  }
0xd8: {  	v21 =	vmul.f32 v26, v26;
	v20 =	vsub.f32 $1.000000000e+00, v20;
	v18 =	vmul.f32 v24, v24  }
0xd9: {  	s26 =	sadd.s32 $0x80, s26;
	v7 =	vadd.f32 v8, v7;
	v10 =	vsub.f32 v10, v11;
	v8 =	vmul.f32 v9, v9  }
0xda: {  	s2 =	sand.u32 $0xC00, s26;
	v9 =	vadd.f32 v18, v32;
	v11 =	vadd.f32 v21, v31;
	v18 =	vmul.f32 v25, v25  }
0xdb: {  	s10 =	sand.u32 $0x70, s8;
	s9 =	sadd.s32 s2, s0;
	v21 =	vmul.f32 v23, v23;
	v8 =	vadd.f32 v8, v7;
	v10 =	vmul.f32 v10, v10  }
0xdc: {  	s9 =	sadd.s32 s10, s9;
	v14 =	vmul.f32 v14, v14;
	v22 =	vmul.f32 v27, v27;
	v18 =	vadd.f32 v18, v29  }
0xdd: {  	s2 =	sadd.s32 s2, s31;
	v13 =	vmul.f32 v13, v13;
	v19 =	vadd.f32 v21, v19;
	v7 =	vld [tilespmem:s9+$0x0];
	v23 =	vadd.f32 v8, v10  }
0xde: {  	s2 =	sadd.s32 s10, s2;
	vm0 =	vgt.f32 v6, $0.0e+00;
	v6 =	vadd.f32 v14, v9;
	v14 =	vadd.f32 v22, v11;
	v8 =	vld [tilespmem:s9+$0x80]  }
0xdf: {  	v13 =	vadd.f32 v13, v18;
	v18 =	vadd.f32 v12, v12;
	v10 =	vld [tilespmem:s2+$0x80];
	v9 =	vnsel vm0, $0x0, v23  }
.Ltmp0:
0xe0: {  	v12 =	vmul.f32 v15, v15;
	v15 =	vadd.f32 v6, v19;
	v11 =	vld [tilespmem:s2+$0x100];
	v4 =	vadd.f32 v9, v4;
	(pc) =	sbr.rel @p0 .LBB2_3-.Ltmp0, $4  }
0xe1: {  	v16 =	vmul.f32 v16, v16;
	v19 =	vmul.f32 v20, v20;
	v13 =	vadd.f32 v13, v14;
	v9 =	vld [tilespmem:s9+$0x100]  }
0xe2: {  	v1 =	vadd.f32 v17, v1;
	v20 =	vor.u32 s8, v0;
	v6 =	vld [tilespmem:s9+$0x180]  }
0xe3: {  	v19 =	vnsel vm0, $0x0, v19;
	v16 =	vadd.f32 v16, v12;
	v15 =	vadd.f32 v13, v15;
	v14 =	vld [tilespmem:s2+$0x180]  }
0xe4: {  	v17 =	vmov s8;
	s8 =	sadd.s32 $0x10, s8;
	v12 =	vand.u32 $0x7F, v20;
	v5 =	vadd.f32 v19, v5;
	v13 =	vld [tilespmem:s2+$0x200]  }
0xe5: {  	v22 =	vld [tilespmem:s2+$0x1000]  }
0xe6: {  	v25 =	vld [tilespmem:s2+$0x1080]  }
0xe7: {  	v15 =	vsub.f32 v15, v18;
	v18 =	vld [tilespmem:s2+$0x300]  }
0xe8: {  	v23 =	vshll.u32 v17, $0x3;
	v24 =	vsel vm0, $0x0, v16;
	v35 =	vld [tilespmem:s9+$0x200];
	v21 =	vmul.f32 $5.000000000e-01, v9  }
0xe9: {  	v39 =	vld [tilespmem:s2+$0x1100];
	v23 =	vand.u32 $0xC00, v23;
	v2 =	vadd.f32 v24, v2;
	v50 =	vshrl.u32 v9, $0x1  }
0xea: {  	v40 =	vld [tilespmem:s2+$0x1180];
	v20 =	vmul.f32 $5.000000000e-01, v6;
	v26 =	vmul.f32 v6, v9;
	v49 =	vshrl.u32 v6, $0x1  }
0xeb: {  	v44 =	vld [tilespmem:s2+$0x2000];
	v53 =	vsub.f32 v7, v21;
	v54 =	vadd.f32 v21, v7;
	v27 =	vmul.f32 $5.000000000e-01, v14  }
0xec: {  	v46 =	vld [tilespmem:s2+$0x2080];
	v28 =	vsub.f32 v8, v20;
	v30 =	vmul.f32 $5.000000000e-01, v13;
	v36 =	vmul.f32 v13, v14  }
0xed: {  	v19 =	vld [tilespmem:s2+$0x380];
	v29 =	vadd.f32 v20, v8;
	v32 =	vmul.f32 $5.000000000e-01, v22;
	v34 =	vmul.f32 $5.000000000e-01, v25  }
0xee: {  	v31 =	vsub.f32 v10, v27;
	v58 =	vtrunc.f32 v35;
	v60 =	vmul.f32 v25, v22  }
0xef: {  	v27 =	vadd.f32 v27, v10;
	v63 =	vmul.f32 v39, v39;
	v45 =	vmul.f32 v40, v40  }
0xf0: {  	v48 =	vmul.f32 v44, v44;
	v33 =	vsub.f32 v11, v30;
	v30 =	vadd.f32 v30, v11  }
0xf1: {  	v42 =	vld [tilespmem:s2+$0x2180];
	v24 =	vmul.f32 v46, v46;
	v37 =	vsub.f32 v18, v32;
	v32 =	vadd.f32 v32, v18  }
0xf2: {  	v56 =	vld [tilespmem:s2+$0x1280];
	v27 =	vmin.f32 v27, v54;
	v38 =	vsub.f32 v19, v34;
	v34 =	vadd.f32 v34, v19  }
0xf3: {  	v31 =	vmax.f32 v31, v53;
	v30 =	vmin.f32 v30, v29;
	v33 =	vmax.f32 v33, v28  }
0xf4: {  	v55 =	vld [tilespmem:s2+$0x1200];
	v27 =	vsub.f32 v27, v31;
	v17 =	vmin.f32 v32, v54;
	v16 =	vmax.f32 v37, v53  }
0xf5: {  	v61 =	vld [tilespmem:s2+$0x1300];
	v29 =	vmin.f32 v34, v29;
	v30 =	vsub.f32 v30, v33;
	v28 =	vmax.f32 v38, v28  }
0xf6: {  	v62 =	vld [tilespmem:s2+$0x1380];
	v44 =	vmul.f32 v42, v42;
	v57 =	vsub.f32 v17, v16;
	v28 =	vsub.f32 v29, v28  }
0xf7: {  	v59 =	vadd.f32 v36, v26;
	v31 =	vmul.f32 v56, v56;
	v16 =	vld [tilespmem:s2+$0x0];
	v27 =	vmax.f32 v27, $0.0e+00  }
0xf8: {  	v17 =	vld [tilespmem:s2+$0x280];
	v30 =	vmax.f32 v30, $0.0e+00;
	v33 =	vmax.f32 v57, $0.0e+00;
	v28 =	vmax.f32 v28, $0.0e+00  }
0xf9: {  	v26 =	vadd.f32 v60, v26;
	v54 =	vld [tilespmem:s2+$0x2100];
	v27 =	vmul.f32 v30, v27;
	v28 =	vmul.f32 v28, v33  }
0xfa: {  	v36 =	vmul.f32 v61, v61;
	v29 =	vcvt.f32.s32 v58;
	v24 =	vadd.f32 v24, v31  }
0xfb: {  	v32 =	vmul.f32 v55, v55;
	v34 =	vsub.f32 v59, v27;
	v26 =	vsub.f32 v26, v28  }
0xfc: {  	v29 =	vadd.s32 $0xA, v29;
	v30 =	vmul.f32 v62, v62;
	v27 =	vmul.f32 v27, v16  }
0xfd: {  	v28 =	vmul.f32 v28, v17;
	v34 =	vadd.f32 $9.999999710e-10, v34;
	v26 =	vadd.f32 $9.999999710e-10, v26  }
0xfe: {  	v47 =	vshll.u32 v29, $0x9;
	v33 =	vadd.f32 v36, v63;
	v63 =	vmul.f32 v54, v54  }
0xff: {  	v29 =	vshll.u32 v29, $0x7;
	v28 =	vmul.f32 v28, v34;
	v26 =	vmul.f32 v26, v27  }
0x100: {  	v32 =	vadd.f32 v48, v32;
	v30 =	vadd.f32 v30, v45;
	v29 =	vand.u32 $0x380, v29  }
0x101: {  	v33 =	vadd.f32 v63, v33;
	v27 =	vand.u32 $0xFFFFF000, v47;
	vm1 =	vgt.f32 v28, v26  }
0x102: {  	v26 =	vsub.s32 $0x5F3759DF, v49;
	v14 =	vsel vm1, v22, v14;
	v22 =	vsub.s32 $0x5F3759DF, v50  }
0x103: {  	v13 =	vsel vm1, v25, v13;
	v43 =	vmul.f32 v26, v20;
	v51 =	vshrl.u32 v14, $0x1  }
0x104: {  	v35 =	vmul.f32 $5.000000000e-01, v14;
	v53 =	vmul.f32 v22, v21;
	v56 =	vshrl.u32 v13, $0x1  }
0x105: {  	v41 =	vmul.f32 $5.000000000e-01, v13;
	v52 =	vsub.s32 $0x5F3759DF, v51;
	v59 =	vmul.f32 v26, v43  }
0x106: {  	v45 =	vld [tilespmem:s2+$0x2200];
	v40 =	vsub.s32 $0x5F3759DF, v56;
	v55 =	vmul.f32 v52, v35;
	v28 =	vmul.f32 v22, v53  }
0x107: {  	v3 =	vadd.s32 v3, v27;
	v58 =	vmul.f32 v40, v41;
	v62 =	vsub.f32 $1.500000000e+00, v59  }
0x108: {  	v3 =	vor.u32 v23, v3;
	v57 =	vmul.f32 v52, v55;
	v28 =	vsub.f32 $1.500000000e+00, v28  }
0x109: {  	v3 =	vor.u32 v29, v3;
	v61 =	vmul.f32 v40, v58;
	v26 =	vmul.f32 v26, v62  }
0x10a: {  	v47 =	vld [tilespmem:s2+$0x2280];
	v3 =	vor.u32 v12, v3;
	v60 =	vsub.f32 $1.500000000e+00, v57;
	v22 =	vmul.f32 v22, v28  }
0x10b: {  	v54 =	vld [tilespmem:s2+$0x2300];
	v38 =	vmul.f32 v45, v45;
	v43 =	vsub.f32 $1.500000000e+00, v61;
	v49 =	vmul.f32 v26, v20  }
0x10c: {  	v30 =	vadd.f32 v44, v30;
	v63 =	vld [tilespmem:s2+$0x3100];
	v25 =	vmul.f32 v52, v60;
	v46 =	vmul.f32 v22, v21  }
0x10d: {  	v36 =	vsel vm1, v18, v10;
	v34 =	vmul.f32 v40, v43;
	v60 =	vld [tilespmem:s2+$0x3000];
	v39 =	vmul.f32 v49, v26  }
0x10e: {  	v7 =	vsub.f32 v36, v7;
	v57 =	vld [tilespmem:s2+$0x2380];
	v48 =	vmul.f32 v25, v35;
	v31 =	vmul.f32 v46, v22  }
0x10f: {  	v3 =	vld.idx.msk [tilespmem:v3+s4+$0x0], $0xffff;
	v28 =	vmul.f32 v47, v47;
	v51 =	vmul.f32 v34, v41;
	v52 =	vsub.f32 $1.500000000e+00, v39  }
0x110: {  	v55 =	vadd.f32 v38, v32;
	v50 =	vmul.f32 v48, v25;
	v31 =	vsub.f32 $1.500000000e+00, v31  }
0x111: {  	v24 =	vadd.f32 v28, v24;
	v27 =	vmul.f32 v51, v34;
	v26 =	vmul.f32 v52, v26  }
0x112: {  	v51 =	vmul.f32 v60, v60;
	v23 =	vsub.f32 $1.500000000e+00, v50;
	v22 =	vmul.f32 v31, v22  }
0x113: {  	v42 =	vld [tilespmem:s2+$0x3200];
	v53 =	vsub.f32 $1.500000000e+00, v27;
	v27 =	vmul.f32 v54, v54;
	v50 =	vmul.f32 v57, v57  }
0x114: {  	v3 =	vadd.f32 v3, v3;
	v54 =	vmul.f32 v63, v63;
	v20 =	vmul.f32 v26, v20  }
0x115: {  	v62 =	vld [tilespmem:s2+$0x3080];
	v39 =	vsel vm1, v19, v11;
	v23 =	vmul.f32 v23, v25;
	v25 =	vmul.f32 v53, v34  }
0x116: {  	v38 =	vld [tilespmem:s2+$0x3180];
	v46 =	vsub.f32 v39, v8;
	v21 =	vmul.f32 v22, v21;
	v20 =	vmul.f32 v20, v26  }
0x117: {  	v11 =	vadd.f32 v51, v55;
	v56 =	vmul.f32 v23, v35;
	v59 =	vmul.f32 v25, v41  }
0x118: {  	v55 =	vmul.f32 v42, v42;
	v21 =	vmul.f32 v21, v22;
	v37 =	vsub.f32 $1.500000000e+00, v20  }
0x119: {  	v45 =	vld [tilespmem:s2+$0x3280];
	v49 =	vadd.f32 v27, v33;
	v58 =	vmul.f32 v56, v23;
	v32 =	vmul.f32 v59, v25  }
0x11a: {  	v53 =	vmul.f32 v62, v62;
	v61 =	vsub.f32 $1.500000000e+00, v21;
	v44 =	vmul.f32 v37, v26  }
0x11b: {  	v20 =	vmul.f32 v38, v38;
	v29 =	vsub.f32 $1.500000000e+00, v58;
	v41 =	vsub.f32 $1.500000000e+00, v32  }
0x11c: {  	v52 =	vadd.f32 v50, v30;
	v12 =	vmul.f32 v61, v22;
	v10 =	vmul.f32 v44, v6  }
0x11d: {  	v11 =	vadd.f32 v55, v11;
	v40 =	vmul.f32 v29, v23;
	v48 =	vmul.f32 v41, v25  }
0x11e: {  	v19 =	vadd.f32 v53, v24;
	v43 =	vmul.f32 v12, v9;
	v12 =	vmul.f32 v45, v45  }
0x11f: {  	v18 =	vadd.f32 v54, v49;
	v47 =	vmul.f32 v40, v14;
	v13 =	vmul.f32 v48, v13  }
0x120: {  	v7 =	vmul.f32 v7, v7;
	v14 =	vadd.f32 v20, v52;
	v12 =	vadd.f32 v12, v19  }
0x121: {  	v8 =	vmul.f32 v46, v46;
	v9 =	vsub.f32 v47, v43;
	v10 =	vsub.f32 v13, v10  }
0x122: {  	vm15 =	vgt.f32 v6, $0.0e+00;
	v57 =	vadd.f32 v14, v18;
	v11 =	vadd.f32 v12, v11  }
0x123: {  	v60 =	vsel vm1, v17, v16;
	v7 =	vadd.f32 v8, v7;
	v56 =	vmul.f32 v9, v9  }
0x124: {  	v59 =	vmul.f32 v10, v10;
	v9 =	vadd.f32 v11, v57;
	v10 =	vsub.f32 $1.000000000e+00, v60  }
0x125: {  	s30 =	sadd.s32 $0x1, s30;
	v62 =	vmul.f32 v17, v17;
	v58 =	vadd.f32 $1.000000000e+00, v15;
	v61 =	vmul.f32 v16, v16  }
0x126: {  	p0 =	sne.s32 s30, $0x31;
	v7 =	vadd.f32 v56, v7;
	v3 =	vsub.f32 v9, v3;
	v6 =	vmul.f32 v10, v10  }
.Ltmp1:
0x127: {  	v63 =	vnsel vm0, $0x0, v58;
	v8 =	vadd.f32 v62, v61;
	(pc) =	sbr.rel @p0 .LBB2_2-.Ltmp1, $4  }
0x128: {  	v7 =	vadd.f32 v7, v59;
	v3 =	vadd.f32 $1.000000000e+00, v3;
	v6 =	vnsel vm15, $0x0, v6  }
0x129: {  	v1 =	vadd.f32 v63, v1;
	v5 =	vadd.f32 v6, v5;
	v6 =	vsel vm15, $0x0, v8  }
0x12a: {  	v7 =	vnsel vm15, $0x0, v7;
	v3 =	vnsel vm15, $0x0, v3;
	v2 =	vadd.f32 v6, v2  }
0x12b: {  	v4 =	vadd.f32 v7, v4;
	v1 =	vadd.f32 v3, v1  }
0x12c: {  	[tilespmem:$0x14000] =	vst v5  }
0x12d: {  	[tilespmem:$0x14030] =	vst v2;
	s29 =	sadd.s32 $0x1, s29  }
0x12e: {  	[tilespmem:$0x14010] =	vst v4;
	p0 =	sne.s32 s29, s13  }
.Ltmp2:
0x12f: {  	s0 =	simm.s32 $0x14000;
	[tilespmem:$0x14020] =	vst v1;
	(pc) =	sbr.rel @p0 .LBB2_1-.Ltmp2, $4  }
0x130: {  	[hbm4b:s12+s4] =	stream.linear.scatter [tilespmem:s0], [sflag:$0x5], $0x40, $0x38;
	[tilespmem:$0x14080] =	vst v63  }
0x131: {  	_ =	swait.ge [sflag:s28], $0x40  }
0x132: {  	[sflag:s28] =	ssyncset.done $0x0  }
0x133: {  	[sflag:s28] =	ssyncadd.s32 $0xFFFFFFC0  }
0x134: {  	_ =	sfence.sel $0x180000  }
0x135: {  	[bflag:$0x0] =	sbarrier.arrive $0xFFFF  }
0x136: {  	_ =	strace $0x90000047  }
0x137: {  	s0 =	stileid.u32;
	[bflag:$0x2] =	sbarrier.arrive $0xFFFF  }
0x138: {  	p0 =	sne.s32 s0, $0x0;
	s0 =	rddreg [dreg:$0x3]  }
0x139: {  	s0 =	sadd.s32 @!p0 $0x100000, s0  }
0x13a: {  	[sflag:s0] =	ssyncadd.tile.s32 @!p0 $0x1;
	_ =	shalt  }
.Lfunc_end2:
_tile_overlayer_lowered:
.L_overlay_start_2:
0x13b: {  	(tag) =	ssettag $0x2  }
0x13c: {  	s0 =	rddreg [dreg:$0x0];
	s2 =	stileid.u32  }
0x13d: {  	s1 =	rddreg [dreg:$0x1];
	p0 =	sne.s32 s2, $0x0  }
0x13e: {  	s3 =	rddreg [dreg:$0x2];
	[bflag:$0x3] =	sbarrier.arrive $0xFFFF;
	s2 =	simm.s32 @!p0 $0x1C05  }
0x13f: {  	[timem:s3], [sflag:s2] =	dma.local @!p0 [hbm:s0], s1  }
0x140: {  	s0 =	simm.s32 @!p0 $0x5  }
0x141: {  	_ =	swait.ge @!p0 [sflag:s0], s1  }
0x142: {  	s1 =	ssub.s32 @!p0 $0x0, s1;
	[sflag:s0] =	ssyncset.done @!p0 $0x0  }
0x143: {  	[sflag:s0] =	ssyncadd.s32 @!p0 s1  }
0x144: {  	[bflag:$0x3] =	sbarrier.arrive $0xFFFF  }
0x145: {  	_ =	shalt  }

</sc_bundles>
